<compile_context>
chip_gen: v7x
topology: tpu7x:2x2x1
jax: 0.10.2.dev20260603
libtpu: 0.0.44.dev20260713+nightly
codegen_flags: <defaults>
</compile_context>

<pallas_src>
import functools

import jax
import jax.numpy as jnp
from jax import lax
from jax.experimental import pallas as pl
from jax.experimental.pallas import tpu as pltpu
from jax.experimental.pallas import tpu_sc as plsc

LENGTH = 100
EMB = 1024
HID = 1024
ROWS = 128

NC = 2
NS = 16
NW = NC * NS

N_TOKENS = 1024 * 50
B_PER_W = N_TOKENS // NW
CHUNK = 40
N_CHUNKS = B_PER_W // CHUNK


def _tc_table_mlp(ids_ref, emb_ref, w1_ref, b1_ref, w2_ref, b2_ref, out_ref):
    ids = ids_ref[...]
    v = lax.broadcasted_iota(jnp.int32, (ROWS, ROWS), 0)
    j = lax.broadcasted_iota(jnp.int32, (ROWS, ROWS), 1)
    match = (ids == v).astype(jnp.float32)
    tri = (lax.broadcasted_iota(jnp.int32, (ROWS, ROWS), 0) <= j).astype(
        jnp.float32)
    c = jnp.dot(match, tri, preferred_element_type=jnp.float32)
    first = match * (c == 1.0).astype(jnp.float32)
    nomatch = (c[:, ROWS - 1:ROWS] == 0.0).astype(jnp.float32)
    col0 = (j == 0).astype(jnp.float32)
    sel = first + nomatch * col0
    rows = jnp.dot(sel, emb_ref[...], preferred_element_type=jnp.float32)
    h = jnp.maximum(
        jnp.dot(rows, w1_ref[...], preferred_element_type=jnp.float32)
        + b1_ref[...], 0.0)
    out_ref[...] = (
        jnp.dot(h, w2_ref[...], preferred_element_type=jnp.float32)
        + b2_ref[...])


def _build_out_table(ids_p, emb_p, W1, b1, W2, b2):
    return pl.pallas_call(
        _tc_table_mlp,
        out_shape=jax.ShapeDtypeStruct((ROWS, EMB), jnp.float32),
    )(ids_p, emb_p, W1, b1.reshape(1, HID), W2, b2.reshape(1, EMB))


def _sc_gather_kernel(table_hbm, idx_hbm, out_hbm, idx_v, rows_a, rows_b,
                      rows_c, gsem_a, gsem_b, gsem_c, ssem_a, ssem_b, ssem_c):
    wid = lax.axis_index("s") * NC + lax.axis_index("c")
    base = wid * B_PER_W

    pltpu.sync_copy(idx_hbm.at[pl.ds(base, B_PER_W)], idx_v)

    ofs = wid * ROWS

    def retarget(i, carry):
        s = pl.ds(i * 16, 16)
        idx_v[s] = idx_v[s] + ofs
        return carry

    lax.fori_loop(0, B_PER_W // 16, retarget, 0)

    def fill(g, rows_v, gsem):
        pltpu.async_copy(
            table_hbm.at[idx_v.at[pl.ds(g * CHUNK, CHUNK)]], rows_v, gsem)

    def fill_wait(g, rows_v, gsem):
        pltpu.make_async_copy(
            table_hbm.at[idx_v.at[pl.ds(g * CHUNK, CHUNK)]], rows_v,
            gsem).wait()

    def store(g, rows_v, ssem):
        pltpu.async_copy(
            rows_v, out_hbm.at[pl.ds(base + g * CHUNK, CHUNK)], ssem)

    def store_wait(g, rows_v, ssem):
        pltpu.make_async_copy(
            rows_v, out_hbm.at[pl.ds(base + g * CHUNK, CHUNK)], ssem).wait()

    bufs = ((rows_a, gsem_a, ssem_a), (rows_b, gsem_b, ssem_b),
            (rows_c, gsem_c, ssem_c))

    for k in range(3):
        fill(k, *bufs[k][:2])
    for k in range(3):
        fill_wait(k, *bufs[k][:2])
        store(k, bufs[k][0], bufs[k][2])

    def body(p, carry):
        g0 = 3 * p
        for k in range(3):
            rows_v, gsem, ssem = bufs[k]
            store_wait(g0 + k - 3, rows_v, ssem)
            fill(g0 + k, rows_v, gsem)
        for k in range(3):
            rows_v, gsem, ssem = bufs[k]
            fill_wait(g0 + k, rows_v, gsem)
            store(g0 + k, rows_v, ssem)
        return carry

    lax.fori_loop(1, N_CHUNKS // 3, body, 0)
    g_last = N_CHUNKS - 1
    store_wait(g_last - 3, rows_a, ssem_a)
    fill(g_last, rows_a, gsem_a)
    fill_wait(g_last, rows_a, gsem_a)
    store(g_last, rows_a, ssem_a)
    store_wait(g_last - 2, rows_b, ssem_b)
    store_wait(g_last - 1, rows_c, ssem_c)
    store_wait(g_last, rows_a, ssem_a)


@functools.cache
def _sc_gather():
    return pl.kernel(
        _sc_gather_kernel,
        out_type=jax.ShapeDtypeStruct((N_TOKENS, EMB), jnp.float32),
        mesh=plsc.VectorSubcoreMesh(
            core_axis_name="c", subcore_axis_name="s", num_cores=NC,
            num_subcores=NS),
        compiler_params=pltpu.CompilerParams(needs_layout_passes=False),
        scratch_types=[
            pltpu.VMEM((B_PER_W,), jnp.int32),
            pltpu.VMEM((CHUNK, EMB), jnp.float32),
            pltpu.VMEM((CHUNK, EMB), jnp.float32),
            pltpu.VMEM((CHUNK, EMB), jnp.float32),
            pltpu.SemaphoreType.DMA,
            pltpu.SemaphoreType.DMA,
            pltpu.SemaphoreType.DMA,
            pltpu.SemaphoreType.DMA,
            pltpu.SemaphoreType.DMA,
            pltpu.SemaphoreType.DMA,
        ],
    )


@jax.jit
def kernel(prompt_token_ids, input_ids, emb_table, W1, b1, W2, b2):
    ids_p = jnp.full((1, ROWS), -1, jnp.int32)
    ids_p = ids_p.at[0, :LENGTH].set(input_ids.astype(jnp.int32))
    emb_p = jnp.pad(emb_table, ((0, ROWS - LENGTH), (0, 0)))
    out_table = _build_out_table(ids_p, emb_p, W1, b1, W2, b2)
    table_rep = jnp.tile(out_table, (NW, 1))
    idx = prompt_token_ids.reshape(-1).astype(jnp.int32)
    return _sc_gather()(table_rep, idx)

# --- scband reference (transcript-rebuilt; emitter-appended) ---
"""Pipeline reference for scband-ptuning-wrapper-45406394254041 (READ-ONLY COPY).

The authoritative reference and input builder live on the scoring server;
editing this copy changes nothing except your own understanding.
"""

import jax, jax.numpy as jnp
import numpy as np

LENGTH = 100
EMB = 1024
HID = 1024  # hidden_size=-1 -> hsize = embedding_dim
B, L = 1024, 50


def setup_inputs(seed: int = 0) -> dict:
    key = jax.random.key(seed)
    k1, k2, k3, k4 = jax.random.split(key, 4)
    # forward arg per input_specs (fill=randint, fill_max=100)
    prompt_token_ids = jax.random.randint(k1, (B, L), 0, LENGTH)
    # module parameters
    input_ids = jnp.arange(LENGTH)  # self.input_ids = Parameter(tensor(prompt_ids)), prompt_ids = range(100)
    emb_table = jax.random.normal(k2, (LENGTH, EMB), dtype=jnp.float32) * 0.02  # nn.Embedding weight
    W1 = jax.random.normal(k3, (EMB, HID), dtype=jnp.float32) * (1.0 / np.sqrt(EMB))
    b1 = jnp.zeros((HID,), dtype=jnp.float32)
    W2 = jax.random.normal(k4, (HID, EMB), dtype=jnp.float32) * (1.0 / np.sqrt(HID))
    b2 = jnp.zeros((EMB,), dtype=jnp.float32)
    return {
        "prompt_token_ids": prompt_token_ids,
        "input_ids": input_ids,
        "emb_table": emb_table,
        "W1": W1,
        "b1": b1,
        "W2": W2,
        "b2": b2,
    }


def reference(prompt_token_ids, input_ids, emb_table, W1, b1, W2, b2):
    # MLPPromptEncoder.forward with id_offset == 0:
    #   prompt_token_ids = (prompt_token_ids.view(-1,1) == self.input_ids).int().argmax(dim=1)
    flat = prompt_token_ids.reshape(-1)  # [B*L]
    match = (flat[:, None] == input_ids[None, :]).astype(jnp.int32)  # [B*L, LENGTH]
    index_list = jnp.argmax(match, axis=1)  # [B*L]
    # embs = self.embedding(prompt_token_ids)
    embs = jnp.take(emb_table, index_list, axis=0)  # [B*L, EMB] gather
    # ret_embs = self.mlp(embs)  (num_layers=1: Linear -> ReLU -> Linear)
    h = jax.nn.relu(embs @ W1 + b1)
    ret_embs = h @ W2 + b2
    return ret_embs

if __name__ == "__main__":
    import jax
    _d = setup_inputs()
    print(jax.jit(kernel)(*tuple(_d.values())))

</pallas_src>

<mosaic_0001>
#map = affine_map<(d0, d1) -> (0, 0)>
#map1 = affine_map<(d0, d1) -> (0)>
module attributes {stable_mosaic.version = 14 : i64} {
  func.func @_sc_gather_kernel(%arg0: i32, %arg1: i32, %arg2: memref<4096x1024xf32, #tpu.memory_space<hbm>>, %arg3: memref<51200xi32, #tpu.memory_space<hbm>>, %arg4: memref<51200x1024xf32, #tpu.memory_space<hbm>>, %arg5: memref<1600xi32, #tpu.memory_space<vmem>>, %arg6: memref<40x1024xf32, #tpu.memory_space<vmem>>, %arg7: memref<40x1024xf32, #tpu.memory_space<vmem>>, %arg8: memref<40x1024xf32, #tpu.memory_space<vmem>>, %arg9: memref<!tpu.dma_semaphore, #tpu.memory_space<semaphore_mem>>, %arg10: memref<!tpu.dma_semaphore, #tpu.memory_space<semaphore_mem>>, %arg11: memref<!tpu.dma_semaphore, #tpu.memory_space<semaphore_mem>>, %arg12: memref<!tpu.dma_semaphore, #tpu.memory_space<semaphore_mem>>, %arg13: memref<!tpu.dma_semaphore, #tpu.memory_space<semaphore_mem>>, %arg14: memref<!tpu.dma_semaphore, #tpu.memory_space<semaphore_mem>>) attributes {dimension_semantics = [#tpu.dimension_semantics<core_parallel>, #tpu.dimension_semantics<subcore_parallel>], iteration_bounds = array<i64: 2, 16>, scalar_prefetch = 0 : i64, scratch_operands = 10 : i64, tpu.core_type = #tpu.core_type<sc_vector_subcore>, window_params = [{transform_indices = #map}, {transform_indices = #map1}, {transform_indices = #map}]} {
    %mul3A = arith.constant 2 : i32
    %mul3A_0 = arith.muli %arg1, %mul3A : i32
    %add3A = arith.addi %mul3A_0, %arg0 : i32
    %mul3A_1 = arith.constant 1600 : i32
    %mul3A_2 = arith.muli %add3A, %mul3A_1 : i32
    "tpu.region"() ({
      %run_scoped3A = tpu.sem_alloc : memref<!tpu.dma_semaphore, #tpu.memory_space<semaphore_mem>>
      %dma_start3A_102 = tpu.memref_slice %arg3[%mul3A_2] : memref<51200xi32, #tpu.memory_space<hbm>> -> memref<1600xi32, #tpu.memory_space<hbm>>
      %dma_start3A_103 = tpu.memref_slice %arg3[%mul3A_2] : memref<51200xi32, #tpu.memory_space<hbm>> -> memref<1600xi32, #tpu.memory_space<hbm>>
      tpu.enqueue_dma source(%dma_start3A_103 : memref<1600xi32, #tpu.memory_space<hbm>>) target(%arg5 : memref<1600xi32, #tpu.memory_space<vmem>>) target_semaphore(%run_scoped3A : memref<!tpu.dma_semaphore, #tpu.memory_space<semaphore_mem>>)
      %dma_wait3A_104 = tpu.memref_slice %arg3[%mul3A_2] : memref<51200xi32, #tpu.memory_space<hbm>> -> memref<1600xi32, #tpu.memory_space<hbm>>
      %dma_wait3A_105 = tpu.memref_slice %arg3[%mul3A_2] : memref<51200xi32, #tpu.memory_space<hbm>> -> memref<1600xi32, #tpu.memory_space<hbm>>
      tpu.wait_dma2 semaphore(%run_scoped3A : memref<!tpu.dma_semaphore, #tpu.memory_space<semaphore_mem>>) src(%dma_wait3A_105 : memref<1600xi32, #tpu.memory_space<hbm>>) dst(%arg5 : memref<1600xi32, #tpu.memory_space<vmem>>)
      tpu.yield
    }) : () -> ()
    %mul3A_3 = arith.constant 128 : i32
    %mul3A_4 = arith.muli %add3A, %mul3A_3 : i32
    %scan3A = arith.constant 0 : i32
    %scan3A_5 = arith.constant 0 : i32
    %scan3A_6 = arith.constant 100 : i32
    %scan3A_7 = arith.addi %scan3A_5, %scan3A_6 : i32
    %scan3A_8 = arith.constant 1 : i32
    scf.for %scan3A_102 = %scan3A_5 to %scan3A_7 step %scan3A_8  : i32 {
      %mul3A_103 = arith.constant 16 : i32
      %mul3A_104 = arith.muli %scan3A_102, %mul3A_103 : i32
      %get3A = arith.index_cast %mul3A_104 : i32 to index
      %get3A_105 = tpu.vector_load %arg5[%get3A] {strides = array<i32>} : memref<1600xi32, #tpu.memory_space<vmem>>, vector<16xi32>,
      %add3A_106 = vector.broadcast %mul3A_4 : i32 to vector<16xi32>
      %add3A_107 = arith.addi %get3A_105, %add3A_106 : vector<16xi32>
      %swap3A = arith.index_cast %mul3A_104 : i32 to index
      %swap3A_108 = tpu.vector_load %arg5[%swap3A] {strides = array<i32>} : memref<1600xi32, #tpu.memory_space<vmem>>, vector<16xi32>,
      tpu.vector_store %arg5[%swap3A], %add3A_107 {strides = array<i32>} : memref<1600xi32, #tpu.memory_space<vmem>>, vector<16xi32>,
    }
    %scan3A_9 = arith.constant 100 : i32
    %dma_start3A = arith.constant 0 : i32
    %dma_start3A_10 = tpu.memref_slice %arg5[%dma_start3A] : memref<1600xi32, #tpu.memory_space<vmem>> -> memref<40xi32, #tpu.memory_space<vmem>>
    %dma_start3A_11 = arith.constant 0 : i32
    %dma_start3A_12 = arith.constant 0 : i32
    %dma_start3A_13 = tpu.memref_slice %arg2[%dma_start3A_11, %dma_start3A_12] : memref<4096x1024xf32, #tpu.memory_space<hbm>> -> memref<4096x1024xf32, #tpu.memory_space<hbm>>
    tpu.enqueue_indirect_dma source(%dma_start3A_13 : memref<4096x1024xf32, #tpu.memory_space<hbm>>) target(%arg6 : memref<40x1024xf32, #tpu.memory_space<vmem>>) offsets(%dma_start3A_10 : memref<40xi32, #tpu.memory_space<vmem>>) semaphore(%arg9 : memref<!tpu.dma_semaphore, #tpu.memory_space<semaphore_mem>>)
    %dma_start3A_14 = arith.constant 40 : i32
    %dma_start3A_15 = tpu.memref_slice %arg5[%dma_start3A_14] : memref<1600xi32, #tpu.memory_space<vmem>> -> memref<40xi32, #tpu.memory_space<vmem>>
    %dma_start3A_16 = arith.constant 0 : i32
    %dma_start3A_17 = arith.constant 0 : i32
    %dma_start3A_18 = tpu.memref_slice %arg2[%dma_start3A_16, %dma_start3A_17] : memref<4096x1024xf32, #tpu.memory_space<hbm>> -> memref<4096x1024xf32, #tpu.memory_space<hbm>>
    tpu.enqueue_indirect_dma source(%dma_start3A_18 : memref<4096x1024xf32, #tpu.memory_space<hbm>>) target(%arg7 : memref<40x1024xf32, #tpu.memory_space<vmem>>) offsets(%dma_start3A_15 : memref<40xi32, #tpu.memory_space<vmem>>) semaphore(%arg10 : memref<!tpu.dma_semaphore, #tpu.memory_space<semaphore_mem>>)
    %dma_start3A_19 = arith.constant 80 : i32
    %dma_start3A_20 = tpu.memref_slice %arg5[%dma_start3A_19] : memref<1600xi32, #tpu.memory_space<vmem>> -> memref<40xi32, #tpu.memory_space<vmem>>
    %dma_start3A_21 = arith.constant 0 : i32
    %dma_start3A_22 = arith.constant 0 : i32
    %dma_start3A_23 = tpu.memref_slice %arg2[%dma_start3A_21, %dma_start3A_22] : memref<4096x1024xf32, #tpu.memory_space<hbm>> -> memref<4096x1024xf32, #tpu.memory_space<hbm>>
    tpu.enqueue_indirect_dma source(%dma_start3A_23 : memref<4096x1024xf32, #tpu.memory_space<hbm>>) target(%arg8 : memref<40x1024xf32, #tpu.memory_space<vmem>>) offsets(%dma_start3A_20 : memref<40xi32, #tpu.memory_space<vmem>>) semaphore(%arg11 : memref<!tpu.dma_semaphore, #tpu.memory_space<semaphore_mem>>)
    %dma_wait3A = arith.constant 0 : i32
    %dma_wait3A_24 = tpu.memref_slice %arg5[%dma_wait3A] : memref<1600xi32, #tpu.memory_space<vmem>> -> memref<40xi32, #tpu.memory_space<vmem>>
    %dma_wait3A_25 = arith.constant 0 : i32
    %dma_wait3A_26 = arith.constant 0 : i32
    %dma_wait3A_27 = tpu.memref_slice %arg2[%dma_wait3A_25, %dma_wait3A_26] : memref<4096x1024xf32, #tpu.memory_space<hbm>> -> memref<4096x1024xf32, #tpu.memory_space<hbm>>
    tpu.wait_indirect_dma semaphore(%arg9 : memref<!tpu.dma_semaphore, #tpu.memory_space<semaphore_mem>>) src(%dma_wait3A_27 : memref<4096x1024xf32, #tpu.memory_space<hbm>>) dst(%arg6 : memref<40x1024xf32, #tpu.memory_space<vmem>>)
    %add3A_28 = arith.constant 0 : i32
    %add3A_29 = arith.addi %mul3A_2, %add3A_28 : i32
    %dma_start3A_30 = arith.constant 0 : i32
    %dma_start3A_31 = tpu.memref_slice %arg4[%add3A_29, %dma_start3A_30] : memref<51200x1024xf32, #tpu.memory_space<hbm>> -> memref<40x1024xf32, #tpu.memory_space<hbm>>
    %dma_start3A_32 = arith.constant 0 : i32
    %dma_start3A_33 = tpu.memref_slice %arg4[%add3A_29, %dma_start3A_32] : memref<51200x1024xf32, #tpu.memory_space<hbm>> -> memref<40x1024xf32, #tpu.memory_space<hbm>>
    tpu.enqueue_dma source(%arg6 : memref<40x1024xf32, #tpu.memory_space<vmem>>) target(%dma_start3A_33 : memref<40x1024xf32, #tpu.memory_space<hbm>>) target_semaphore(%arg12 : memref<!tpu.dma_semaphore, #tpu.memory_space<semaphore_mem>>)
    %dma_wait3A_34 = arith.constant 40 : i32
    %dma_wait3A_35 = tpu.memref_slice %arg5[%dma_wait3A_34] : memref<1600xi32, #tpu.memory_space<vmem>> -> memref<40xi32, #tpu.memory_space<vmem>>
    %dma_wait3A_36 = arith.constant 0 : i32
    %dma_wait3A_37 = arith.constant 0 : i32
    %dma_wait3A_38 = tpu.memref_slice %arg2[%dma_wait3A_36, %dma_wait3A_37] : memref<4096x1024xf32, #tpu.memory_space<hbm>> -> memref<4096x1024xf32, #tpu.memory_space<hbm>>
    tpu.wait_indirect_dma semaphore(%arg10 : memref<!tpu.dma_semaphore, #tpu.memory_space<semaphore_mem>>) src(%dma_wait3A_38 : memref<4096x1024xf32, #tpu.memory_space<hbm>>) dst(%arg7 : memref<40x1024xf32, #tpu.memory_space<vmem>>)
    %add3A_39 = arith.constant 40 : i32
    %add3A_40 = arith.addi %mul3A_2, %add3A_39 : i32
    %dma_start3A_41 = arith.constant 0 : i32
    %dma_start3A_42 = tpu.memref_slice %arg4[%add3A_40, %dma_start3A_41] : memref<51200x1024xf32, #tpu.memory_space<hbm>> -> memref<40x1024xf32, #tpu.memory_space<hbm>>
    %dma_start3A_43 = arith.constant 0 : i32
    %dma_start3A_44 = tpu.memref_slice %arg4[%add3A_40, %dma_start3A_43] : memref<51200x1024xf32, #tpu.memory_space<hbm>> -> memref<40x1024xf32, #tpu.memory_space<hbm>>
    tpu.enqueue_dma source(%arg7 : memref<40x1024xf32, #tpu.memory_space<vmem>>) target(%dma_start3A_44 : memref<40x1024xf32, #tpu.memory_space<hbm>>) target_semaphore(%arg13 : memref<!tpu.dma_semaphore, #tpu.memory_space<semaphore_mem>>)
    %dma_wait3A_45 = arith.constant 80 : i32
    %dma_wait3A_46 = tpu.memref_slice %arg5[%dma_wait3A_45] : memref<1600xi32, #tpu.memory_space<vmem>> -> memref<40xi32, #tpu.memory_space<vmem>>
    %dma_wait3A_47 = arith.constant 0 : i32
    %dma_wait3A_48 = arith.constant 0 : i32
    %dma_wait3A_49 = tpu.memref_slice %arg2[%dma_wait3A_47, %dma_wait3A_48] : memref<4096x1024xf32, #tpu.memory_space<hbm>> -> memref<4096x1024xf32, #tpu.memory_space<hbm>>
    tpu.wait_indirect_dma semaphore(%arg11 : memref<!tpu.dma_semaphore, #tpu.memory_space<semaphore_mem>>) src(%dma_wait3A_49 : memref<4096x1024xf32, #tpu.memory_space<hbm>>) dst(%arg8 : memref<40x1024xf32, #tpu.memory_space<vmem>>)
    %add3A_50 = arith.constant 80 : i32
    %add3A_51 = arith.addi %mul3A_2, %add3A_50 : i32
    %dma_start3A_52 = arith.constant 0 : i32
    %dma_start3A_53 = tpu.memref_slice %arg4[%add3A_51, %dma_start3A_52] : memref<51200x1024xf32, #tpu.memory_space<hbm>> -> memref<40x1024xf32, #tpu.memory_space<hbm>>
    %dma_start3A_54 = arith.constant 0 : i32
    %dma_start3A_55 = tpu.memref_slice %arg4[%add3A_51, %dma_start3A_54] : memref<51200x1024xf32, #tpu.memory_space<hbm>> -> memref<40x1024xf32, #tpu.memory_space<hbm>>
    tpu.enqueue_dma source(%arg8 : memref<40x1024xf32, #tpu.memory_space<vmem>>) target(%dma_start3A_55 : memref<40x1024xf32, #tpu.memory_space<hbm>>) target_semaphore(%arg14 : memref<!tpu.dma_semaphore, #tpu.memory_space<semaphore_mem>>)
    %scan3A_56 = arith.constant 0 : i32
    %scan3A_57 = arith.constant 1 : i32
    %scan3A_58 = arith.constant 12 : i32
    %scan3A_59 = arith.addi %scan3A_57, %scan3A_58 : i32
    %scan3A_60 = arith.constant 1 : i32
    scf.for %scan3A_102 = %scan3A_57 to %scan3A_59 step %scan3A_60  : i32 {
      %mul3A_103 = arith.constant 3 : i32
      %mul3A_104 = arith.muli %mul3A_103, %scan3A_102 : i32
      %add3A_105 = arith.constant 0 : i32
      %add3A_106 = arith.addi %mul3A_104, %add3A_105 : i32
      %sub3A = arith.constant 3 : i32
      %sub3A_107 = arith.subi %add3A_106, %sub3A : i32
      %mul3A_108 = arith.constant 40 : i32
      %mul3A_109 = arith.muli %sub3A_107, %mul3A_108 : i32
      %add3A_110 = arith.addi %mul3A_2, %mul3A_109 : i32
      %dma_wait3A_111 = arith.constant 0 : i32
      %dma_wait3A_112 = tpu.memref_slice %arg4[%add3A_110, %dma_wait3A_111] : memref<51200x1024xf32, #tpu.memory_space<hbm>> -> memref<40x1024xf32, #tpu.memory_space<hbm>>
      %dma_wait3A_113 = arith.constant 0 : i32
      %dma_wait3A_114 = tpu.memref_slice %arg4[%add3A_110, %dma_wait3A_113] : memref<51200x1024xf32, #tpu.memory_space<hbm>> -> memref<40x1024xf32, #tpu.memory_space<hbm>>
      tpu.wait_dma2 semaphore(%arg12 : memref<!tpu.dma_semaphore, #tpu.memory_space<semaphore_mem>>) src(%arg6 : memref<40x1024xf32, #tpu.memory_space<vmem>>) dst(%dma_wait3A_114 : memref<40x1024xf32, #tpu.memory_space<hbm>>)
      %add3A_115 = arith.constant 0 : i32
      %add3A_116 = arith.addi %mul3A_104, %add3A_115 : i32
      %mul3A_117 = arith.constant 40 : i32
      %mul3A_118 = arith.muli %add3A_116, %mul3A_117 : i32
      %dma_start3A_119 = tpu.memref_slice %arg5[%mul3A_118] : memref<1600xi32, #tpu.memory_space<vmem>> -> memref<40xi32, #tpu.memory_space<vmem>>
      %dma_start3A_120 = arith.constant 0 : i32
      %dma_start3A_121 = arith.constant 0 : i32
      %dma_start3A_122 = tpu.memref_slice %arg2[%dma_start3A_120, %dma_start3A_121] : memref<4096x1024xf32, #tpu.memory_space<hbm>> -> memref<4096x1024xf32, #tpu.memory_space<hbm>>
      tpu.enqueue_indirect_dma source(%dma_start3A_122 : memref<4096x1024xf32, #tpu.memory_space<hbm>>) target(%arg6 : memref<40x1024xf32, #tpu.memory_space<vmem>>) offsets(%dma_start3A_119 : memref<40xi32, #tpu.memory_space<vmem>>) semaphore(%arg9 : memref<!tpu.dma_semaphore, #tpu.memory_space<semaphore_mem>>)
      %add3A_123 = arith.constant 1 : i32
      %add3A_124 = arith.addi %mul3A_104, %add3A_123 : i32
      %sub3A_125 = arith.constant 3 : i32
      %sub3A_126 = arith.subi %add3A_124, %sub3A_125 : i32
      %mul3A_127 = arith.constant 40 : i32
      %mul3A_128 = arith.muli %sub3A_126, %mul3A_127 : i32
      %add3A_129 = arith.addi %mul3A_2, %mul3A_128 : i32
      %dma_wait3A_130 = arith.constant 0 : i32
      %dma_wait3A_131 = tpu.memref_slice %arg4[%add3A_129, %dma_wait3A_130] : memref<51200x1024xf32, #tpu.memory_space<hbm>> -> memref<40x1024xf32, #tpu.memory_space<hbm>>
      %dma_wait3A_132 = arith.constant 0 : i32
      %dma_wait3A_133 = tpu.memref_slice %arg4[%add3A_129, %dma_wait3A_132] : memref<51200x1024xf32, #tpu.memory_space<hbm>> -> memref<40x1024xf32, #tpu.memory_space<hbm>>
      tpu.wait_dma2 semaphore(%arg13 : memref<!tpu.dma_semaphore, #tpu.memory_space<semaphore_mem>>) src(%arg7 : memref<40x1024xf32, #tpu.memory_space<vmem>>) dst(%dma_wait3A_133 : memref<40x1024xf32, #tpu.memory_space<hbm>>)
      %add3A_134 = arith.constant 1 : i32
      %add3A_135 = arith.addi %mul3A_104, %add3A_134 : i32
      %mul3A_136 = arith.constant 40 : i32
      %mul3A_137 = arith.muli %add3A_135, %mul3A_136 : i32
      %dma_start3A_138 = tpu.memref_slice %arg5[%mul3A_137] : memref<1600xi32, #tpu.memory_space<vmem>> -> memref<40xi32, #tpu.memory_space<vmem>>
      %dma_start3A_139 = arith.constant 0 : i32
      %dma_start3A_140 = arith.constant 0 : i32
      %dma_start3A_141 = tpu.memref_slice %arg2[%dma_start3A_139, %dma_start3A_140] : memref<4096x1024xf32, #tpu.memory_space<hbm>> -> memref<4096x1024xf32, #tpu.memory_space<hbm>>
      tpu.enqueue_indirect_dma source(%dma_start3A_141 : memref<4096x1024xf32, #tpu.memory_space<hbm>>) target(%arg7 : memref<40x1024xf32, #tpu.memory_space<vmem>>) offsets(%dma_start3A_138 : memref<40xi32, #tpu.memory_space<vmem>>) semaphore(%arg10 : memref<!tpu.dma_semaphore, #tpu.memory_space<semaphore_mem>>)
      %add3A_142 = arith.constant 2 : i32
      %add3A_143 = arith.addi %mul3A_104, %add3A_142 : i32
      %sub3A_144 = arith.constant 3 : i32
      %sub3A_145 = arith.subi %add3A_143, %sub3A_144 : i32
      %mul3A_146 = arith.constant 40 : i32
      %mul3A_147 = arith.muli %sub3A_145, %mul3A_146 : i32
      %add3A_148 = arith.addi %mul3A_2, %mul3A_147 : i32
      %dma_wait3A_149 = arith.constant 0 : i32
      %dma_wait3A_150 = tpu.memref_slice %arg4[%add3A_148, %dma_wait3A_149] : memref<51200x1024xf32, #tpu.memory_space<hbm>> -> memref<40x1024xf32, #tpu.memory_space<hbm>>
      %dma_wait3A_151 = arith.constant 0 : i32
      %dma_wait3A_152 = tpu.memref_slice %arg4[%add3A_148, %dma_wait3A_151] : memref<51200x1024xf32, #tpu.memory_space<hbm>> -> memref<40x1024xf32, #tpu.memory_space<hbm>>
      tpu.wait_dma2 semaphore(%arg14 : memref<!tpu.dma_semaphore, #tpu.memory_space<semaphore_mem>>) src(%arg8 : memref<40x1024xf32, #tpu.memory_space<vmem>>) dst(%dma_wait3A_152 : memref<40x1024xf32, #tpu.memory_space<hbm>>)
      %add3A_153 = arith.constant 2 : i32
      %add3A_154 = arith.addi %mul3A_104, %add3A_153 : i32
      %mul3A_155 = arith.constant 40 : i32
      %mul3A_156 = arith.muli %add3A_154, %mul3A_155 : i32
      %dma_start3A_157 = tpu.memref_slice %arg5[%mul3A_156] : memref<1600xi32, #tpu.memory_space<vmem>> -> memref<40xi32, #tpu.memory_space<vmem>>
      %dma_start3A_158 = arith.constant 0 : i32
      %dma_start3A_159 = arith.constant 0 : i32
      %dma_start3A_160 = tpu.memref_slice %arg2[%dma_start3A_158, %dma_start3A_159] : memref<4096x1024xf32, #tpu.memory_space<hbm>> -> memref<4096x1024xf32, #tpu.memory_space<hbm>>
      tpu.enqueue_indirect_dma source(%dma_start3A_160 : memref<4096x1024xf32, #tpu.memory_space<hbm>>) target(%arg8 : memref<40x1024xf32, #tpu.memory_space<vmem>>) offsets(%dma_start3A_157 : memref<40xi32, #tpu.memory_space<vmem>>) semaphore(%arg11 : memref<!tpu.dma_semaphore, #tpu.memory_space<semaphore_mem>>)
      %add3A_161 = arith.constant 0 : i32
      %add3A_162 = arith.addi %mul3A_104, %add3A_161 : i32
      %mul3A_163 = arith.constant 40 : i32
      %mul3A_164 = arith.muli %add3A_162, %mul3A_163 : i32
      %dma_wait3A_165 = tpu.memref_slice %arg5[%mul3A_164] : memref<1600xi32, #tpu.memory_space<vmem>> -> memref<40xi32, #tpu.memory_space<vmem>>
      %dma_wait3A_166 = arith.constant 0 : i32
      %dma_wait3A_167 = arith.constant 0 : i32
      %dma_wait3A_168 = tpu.memref_slice %arg2[%dma_wait3A_166, %dma_wait3A_167] : memref<4096x1024xf32, #tpu.memory_space<hbm>> -> memref<4096x1024xf32, #tpu.memory_space<hbm>>
      tpu.wait_indirect_dma semaphore(%arg9 : memref<!tpu.dma_semaphore, #tpu.memory_space<semaphore_mem>>) src(%dma_wait3A_168 : memref<4096x1024xf32, #tpu.memory_space<hbm>>) dst(%arg6 : memref<40x1024xf32, #tpu.memory_space<vmem>>)
      %add3A_169 = arith.constant 0 : i32
      %add3A_170 = arith.addi %mul3A_104, %add3A_169 : i32
      %mul3A_171 = arith.constant 40 : i32
      %mul3A_172 = arith.muli %add3A_170, %mul3A_171 : i32
      %add3A_173 = arith.addi %mul3A_2, %mul3A_172 : i32
      %dma_start3A_174 = arith.constant 0 : i32
      %dma_start3A_175 = tpu.memref_slice %arg4[%add3A_173, %dma_start3A_174] : memref<51200x1024xf32, #tpu.memory_space<hbm>> -> memref<40x1024xf32, #tpu.memory_space<hbm>>
      %dma_start3A_176 = arith.constant 0 : i32
      %dma_start3A_177 = tpu.memref_slice %arg4[%add3A_173, %dma_start3A_176] : memref<51200x1024xf32, #tpu.memory_space<hbm>> -> memref<40x1024xf32, #tpu.memory_space<hbm>>
      tpu.enqueue_dma source(%arg6 : memref<40x1024xf32, #tpu.memory_space<vmem>>) target(%dma_start3A_177 : memref<40x1024xf32, #tpu.memory_space<hbm>>) target_semaphore(%arg12 : memref<!tpu.dma_semaphore, #tpu.memory_space<semaphore_mem>>)
      %add3A_178 = arith.constant 1 : i32
      %add3A_179 = arith.addi %mul3A_104, %add3A_178 : i32
      %mul3A_180 = arith.constant 40 : i32
      %mul3A_181 = arith.muli %add3A_179, %mul3A_180 : i32
      %dma_wait3A_182 = tpu.memref_slice %arg5[%mul3A_181] : memref<1600xi32, #tpu.memory_space<vmem>> -> memref<40xi32, #tpu.memory_space<vmem>>
      %dma_wait3A_183 = arith.constant 0 : i32
      %dma_wait3A_184 = arith.constant 0 : i32
      %dma_wait3A_185 = tpu.memref_slice %arg2[%dma_wait3A_183, %dma_wait3A_184] : memref<4096x1024xf32, #tpu.memory_space<hbm>> -> memref<4096x1024xf32, #tpu.memory_space<hbm>>
      tpu.wait_indirect_dma semaphore(%arg10 : memref<!tpu.dma_semaphore, #tpu.memory_space<semaphore_mem>>) src(%dma_wait3A_185 : memref<4096x1024xf32, #tpu.memory_space<hbm>>) dst(%arg7 : memref<40x1024xf32, #tpu.memory_space<vmem>>)
      %add3A_186 = arith.constant 1 : i32
      %add3A_187 = arith.addi %mul3A_104, %add3A_186 : i32
      %mul3A_188 = arith.constant 40 : i32
      %mul3A_189 = arith.muli %add3A_187, %mul3A_188 : i32
      %add3A_190 = arith.addi %mul3A_2, %mul3A_189 : i32
      %dma_start3A_191 = arith.constant 0 : i32
      %dma_start3A_192 = tpu.memref_slice %arg4[%add3A_190, %dma_start3A_191] : memref<51200x1024xf32, #tpu.memory_space<hbm>> -> memref<40x1024xf32, #tpu.memory_space<hbm>>
      %dma_start3A_193 = arith.constant 0 : i32
      %dma_start3A_194 = tpu.memref_slice %arg4[%add3A_190, %dma_start3A_193] : memref<51200x1024xf32, #tpu.memory_space<hbm>> -> memref<40x1024xf32, #tpu.memory_space<hbm>>
      tpu.enqueue_dma source(%arg7 : memref<40x1024xf32, #tpu.memory_space<vmem>>) target(%dma_start3A_194 : memref<40x1024xf32, #tpu.memory_space<hbm>>) target_semaphore(%arg13 : memref<!tpu.dma_semaphore, #tpu.memory_space<semaphore_mem>>)
      %add3A_195 = arith.constant 2 : i32
      %add3A_196 = arith.addi %mul3A_104, %add3A_195 : i32
      %mul3A_197 = arith.constant 40 : i32
      %mul3A_198 = arith.muli %add3A_196, %mul3A_197 : i32
      %dma_wait3A_199 = tpu.memref_slice %arg5[%mul3A_198] : memref<1600xi32, #tpu.memory_space<vmem>> -> memref<40xi32, #tpu.memory_space<vmem>>
      %dma_wait3A_200 = arith.constant 0 : i32
      %dma_wait3A_201 = arith.constant 0 : i32
      %dma_wait3A_202 = tpu.memref_slice %arg2[%dma_wait3A_200, %dma_wait3A_201] : memref<4096x1024xf32, #tpu.memory_space<hbm>> -> memref<4096x1024xf32, #tpu.memory_space<hbm>>
      tpu.wait_indirect_dma semaphore(%arg11 : memref<!tpu.dma_semaphore, #tpu.memory_space<semaphore_mem>>) src(%dma_wait3A_202 : memref<4096x1024xf32, #tpu.memory_space<hbm>>) dst(%arg8 : memref<40x1024xf32, #tpu.memory_space<vmem>>)
      %add3A_203 = arith.constant 2 : i32
      %add3A_204 = arith.addi %mul3A_104, %add3A_203 : i32
      %mul3A_205 = arith.constant 40 : i32
      %mul3A_206 = arith.muli %add3A_204, %mul3A_205 : i32
      %add3A_207 = arith.addi %mul3A_2, %mul3A_206 : i32
      %dma_start3A_208 = arith.constant 0 : i32
      %dma_start3A_209 = tpu.memref_slice %arg4[%add3A_207, %dma_start3A_208] : memref<51200x1024xf32, #tpu.memory_space<hbm>> -> memref<40x1024xf32, #tpu.memory_space<hbm>>
      %dma_start3A_210 = arith.constant 0 : i32
      %dma_start3A_211 = tpu.memref_slice %arg4[%add3A_207, %dma_start3A_210] : memref<51200x1024xf32, #tpu.memory_space<hbm>> -> memref<40x1024xf32, #tpu.memory_space<hbm>>
      tpu.enqueue_dma source(%arg8 : memref<40x1024xf32, #tpu.memory_space<vmem>>) target(%dma_start3A_211 : memref<40x1024xf32, #tpu.memory_space<hbm>>) target_semaphore(%arg14 : memref<!tpu.dma_semaphore, #tpu.memory_space<semaphore_mem>>)
    }
    %scan3A_61 = arith.constant 12 : i32
    %add3A_62 = arith.constant 1440 : i32
    %add3A_63 = arith.addi %mul3A_2, %add3A_62 : i32
    %dma_wait3A_64 = arith.constant 0 : i32
    %dma_wait3A_65 = tpu.memref_slice %arg4[%add3A_63, %dma_wait3A_64] : memref<51200x1024xf32, #tpu.memory_space<hbm>> -> memref<40x1024xf32, #tpu.memory_space<hbm>>
    %dma_wait3A_66 = arith.constant 0 : i32
    %dma_wait3A_67 = tpu.memref_slice %arg4[%add3A_63, %dma_wait3A_66] : memref<51200x1024xf32, #tpu.memory_space<hbm>> -> memref<40x1024xf32, #tpu.memory_space<hbm>>
    tpu.wait_dma2 semaphore(%arg12 : memref<!tpu.dma_semaphore, #tpu.memory_space<semaphore_mem>>) src(%arg6 : memref<40x1024xf32, #tpu.memory_space<vmem>>) dst(%dma_wait3A_67 : memref<40x1024xf32, #tpu.memory_space<hbm>>)
    %dma_start3A_68 = arith.constant 1560 : i32
    %dma_start3A_69 = tpu.memref_slice %arg5[%dma_start3A_68] : memref<1600xi32, #tpu.memory_space<vmem>> -> memref<40xi32, #tpu.memory_space<vmem>>
    %dma_start3A_70 = arith.constant 0 : i32
    %dma_start3A_71 = arith.constant 0 : i32
    %dma_start3A_72 = tpu.memref_slice %arg2[%dma_start3A_70, %dma_start3A_71] : memref<4096x1024xf32, #tpu.memory_space<hbm>> -> memref<4096x1024xf32, #tpu.memory_space<hbm>>
    tpu.enqueue_indirect_dma source(%dma_start3A_72 : memref<4096x1024xf32, #tpu.memory_space<hbm>>) target(%arg6 : memref<40x1024xf32, #tpu.memory_space<vmem>>) offsets(%dma_start3A_69 : memref<40xi32, #tpu.memory_space<vmem>>) semaphore(%arg9 : memref<!tpu.dma_semaphore, #tpu.memory_space<semaphore_mem>>)
    %dma_wait3A_73 = arith.constant 1560 : i32
    %dma_wait3A_74 = tpu.memref_slice %arg5[%dma_wait3A_73] : memref<1600xi32, #tpu.memory_space<vmem>> -> memref<40xi32, #tpu.memory_space<vmem>>
    %dma_wait3A_75 = arith.constant 0 : i32
    %dma_wait3A_76 = arith.constant 0 : i32
    %dma_wait3A_77 = tpu.memref_slice %arg2[%dma_wait3A_75, %dma_wait3A_76] : memref<4096x1024xf32, #tpu.memory_space<hbm>> -> memref<4096x1024xf32, #tpu.memory_space<hbm>>
    tpu.wait_indirect_dma semaphore(%arg9 : memref<!tpu.dma_semaphore, #tpu.memory_space<semaphore_mem>>) src(%dma_wait3A_77 : memref<4096x1024xf32, #tpu.memory_space<hbm>>) dst(%arg6 : memref<40x1024xf32, #tpu.memory_space<vmem>>)
    %add3A_78 = arith.constant 1560 : i32
    %add3A_79 = arith.addi %mul3A_2, %add3A_78 : i32
    %dma_start3A_80 = arith.constant 0 : i32
    %dma_start3A_81 = tpu.memref_slice %arg4[%add3A_79, %dma_start3A_80] : memref<51200x1024xf32, #tpu.memory_space<hbm>> -> memref<40x1024xf32, #tpu.memory_space<hbm>>
    %dma_start3A_82 = arith.constant 0 : i32
    %dma_start3A_83 = tpu.memref_slice %arg4[%add3A_79, %dma_start3A_82] : memref<51200x1024xf32, #tpu.memory_space<hbm>> -> memref<40x1024xf32, #tpu.memory_space<hbm>>
    tpu.enqueue_dma source(%arg6 : memref<40x1024xf32, #tpu.memory_space<vmem>>) target(%dma_start3A_83 : memref<40x1024xf32, #tpu.memory_space<hbm>>) target_semaphore(%arg12 : memref<!tpu.dma_semaphore, #tpu.memory_space<semaphore_mem>>)
    %add3A_84 = arith.constant 1480 : i32
    %add3A_85 = arith.addi %mul3A_2, %add3A_84 : i32
    %dma_wait3A_86 = arith.constant 0 : i32
    %dma_wait3A_87 = tpu.memref_slice %arg4[%add3A_85, %dma_wait3A_86] : memref<51200x1024xf32, #tpu.memory_space<hbm>> -> memref<40x1024xf32, #tpu.memory_space<hbm>>
    %dma_wait3A_88 = arith.constant 0 : i32
    %dma_wait3A_89 = tpu.memref_slice %arg4[%add3A_85, %dma_wait3A_88] : memref<51200x1024xf32, #tpu.memory_space<hbm>> -> memref<40x1024xf32, #tpu.memory_space<hbm>>
    tpu.wait_dma2 semaphore(%arg13 : memref<!tpu.dma_semaphore, #tpu.memory_space<semaphore_mem>>) src(%arg7 : memref<40x1024xf32, #tpu.memory_space<vmem>>) dst(%dma_wait3A_89 : memref<40x1024xf32, #tpu.memory_space<hbm>>)
    %add3A_90 = arith.constant 1520 : i32
    %add3A_91 = arith.addi %mul3A_2, %add3A_90 : i32
    %dma_wait3A_92 = arith.constant 0 : i32
    %dma_wait3A_93 = tpu.memref_slice %arg4[%add3A_91, %dma_wait3A_92] : memref<51200x1024xf32, #tpu.memory_space<hbm>> -> memref<40x1024xf32, #tpu.memory_space<hbm>>
    %dma_wait3A_94 = arith.constant 0 : i32
    %dma_wait3A_95 = tpu.memref_slice %arg4[%add3A_91, %dma_wait3A_94] : memref<51200x1024xf32, #tpu.memory_space<hbm>> -> memref<40x1024xf32, #tpu.memory_space<hbm>>
    tpu.wait_dma2 semaphore(%arg14 : memref<!tpu.dma_semaphore, #tpu.memory_space<semaphore_mem>>) src(%arg8 : memref<40x1024xf32, #tpu.memory_space<vmem>>) dst(%dma_wait3A_95 : memref<40x1024xf32, #tpu.memory_space<hbm>>)
    %add3A_96 = arith.constant 1560 : i32
    %add3A_97 = arith.addi %mul3A_2, %add3A_96 : i32
    %dma_wait3A_98 = arith.constant 0 : i32
    %dma_wait3A_99 = tpu.memref_slice %arg4[%add3A_97, %dma_wait3A_98] : memref<51200x1024xf32, #tpu.memory_space<hbm>> -> memref<40x1024xf32, #tpu.memory_space<hbm>>
    %dma_wait3A_100 = arith.constant 0 : i32
    %dma_wait3A_101 = tpu.memref_slice %arg4[%add3A_97, %dma_wait3A_100] : memref<51200x1024xf32, #tpu.memory_space<hbm>> -> memref<40x1024xf32, #tpu.memory_space<hbm>>
    tpu.wait_dma2 semaphore(%arg12 : memref<!tpu.dma_semaphore, #tpu.memory_space<semaphore_mem>>) src(%arg6 : memref<40x1024xf32, #tpu.memory_space<vmem>>) dst(%dma_wait3A_101 : memref<40x1024xf32, #tpu.memory_space<hbm>>)
    return
  }
}

module attributes {stable_mosaic.version = 14 : i64} {
  func.func @_tc_table_mlp(%arg0: memref<1x128xi32, #tpu.memory_space<vmem>>, %arg1: memref<128x1024xf32, #tpu.memory_space<vmem>>, %arg2: memref<1024x1024xf32, #tpu.memory_space<vmem>>, %arg3: memref<1x1024xf32, #tpu.memory_space<vmem>>, %arg4: memref<1024x1024xf32, #tpu.memory_space<vmem>>, %arg5: memref<1x1024xf32, #tpu.memory_space<vmem>>, %arg6: memref<128x1024xf32, #tpu.memory_space<vmem>>) attributes {dimension_semantics = [], scalar_prefetch = 0 : i64, scratch_operands = 0 : i64, tpu.core_type = #tpu.core_type<tc>} {
    %get3A = arith.constant 0 : index
    %get3A_0 = arith.constant 0 : index
    %get3A_1 = vector.load %arg0[%get3A, %get3A_0] : memref<1x128xi32, #tpu.memory_space<vmem>>, vector<1x128xi32>
    %iota3A = tpu.iota {dimensions = array<i32: 0>} : vector<128x128xi32>
    %iota3A_2 = tpu.iota {dimensions = array<i32: 1>} : vector<128x128xi32>
    %eq3A = vector.broadcast %get3A_1 : vector<1x128xi32> to vector<128x128xi32>
    %eq3A_3 = arith.cmpi eq, %eq3A, %iota3A : vector<128x128xi32>
    %convert_element_type3A = arith.extui %eq3A_3 : vector<128x128xi1> to vector<128x128xi32>
    %convert_element_type3A_4 = arith.sitofp %convert_element_type3A : vector<128x128xi32> to vector<128x128xf32>
    %iota3A_5 = tpu.iota {dimensions = array<i32: 0>} : vector<128x128xi32>
    %le3A = arith.cmpi sle, %iota3A_5, %iota3A_2 : vector<128x128xi32>
    %convert_element_type3A_6 = arith.extui %le3A : vector<128x128xi1> to vector<128x128xi32>
    %convert_element_type3A_7 = arith.sitofp %convert_element_type3A_6 : vector<128x128xi32> to vector<128x128xf32>
    %dot_general3A = arith.constant dense<0.000000e+00> : vector<128x128xf32>
    %dot_general3A_8 = tpu.matmul %convert_element_type3A_4, %convert_element_type3A_7, %dot_general3A {dimension_numbers = #tpu.dot_dimension_numbers<[1], [0], [0], [1], [0, 0, 1, 1], [], []>, transpose_lhs_hint = false} : vector<128x128xf32>, vector<128x128xf32>, vector<128x128xf32> -> vector<128x128xf32>
    %eq3A_9 = arith.constant 1.000000e+00 : f32
    %eq3A_10 = vector.broadcast %eq3A_9 : f32 to vector<128x128xf32>
    %eq3A_11 = arith.cmpf oeq, %dot_general3A_8, %eq3A_10 : vector<128x128xf32>
    %convert_element_type3A_12 = arith.extui %eq3A_11 : vector<128x128xi1> to vector<128x128xi32>
    %convert_element_type3A_13 = arith.sitofp %convert_element_type3A_12 : vector<128x128xi32> to vector<128x128xf32>
    %mul3A = arith.mulf %convert_element_type3A_4, %convert_element_type3A_13 : vector<128x128xf32>
    %slice3A = vector.extract_strided_slice %dot_general3A_8 {offsets = [0, 127], sizes = [128, 1], strides = [1, 1]} : vector<128x128xf32> to vector<128x1xf32>
    %eq3A_14 = arith.constant 0.000000e+00 : f32
    %eq3A_15 = vector.broadcast %eq3A_14 : f32 to vector<128x1xf32>
    %eq3A_16 = arith.cmpf oeq, %slice3A, %eq3A_15 : vector<128x1xf32>
    %convert_element_type3A_17 = arith.extui %eq3A_16 : vector<128x1xi1> to vector<128x1xi32>
    %convert_element_type3A_18 = arith.sitofp %convert_element_type3A_17 : vector<128x1xi32> to vector<128x1xf32>
    %eq3A_19 = arith.constant 0 : i32
    %eq3A_20 = vector.broadcast %eq3A_19 : i32 to vector<128x128xi32>
    %eq3A_21 = arith.cmpi eq, %iota3A_2, %eq3A_20 : vector<128x128xi32>
    %convert_element_type3A_22 = arith.extui %eq3A_21 : vector<128x128xi1> to vector<128x128xi32>
    %convert_element_type3A_23 = arith.sitofp %convert_element_type3A_22 : vector<128x128xi32> to vector<128x128xf32>
    %mul3A_24 = vector.broadcast %convert_element_type3A_18 : vector<128x1xf32> to vector<128x128xf32>
    %mul3A_25 = arith.mulf %mul3A_24, %convert_element_type3A_23 : vector<128x128xf32>
    %add3A = arith.addf %mul3A, %mul3A_25 : vector<128x128xf32>
    %get3A_26 = arith.constant 0 : index
    %get3A_27 = arith.constant 0 : index
    %get3A_28 = vector.load %arg1[%get3A_26, %get3A_27] : memref<128x1024xf32, #tpu.memory_space<vmem>>, vector<128x1024xf32>
    %dot_general3A_29 = arith.constant dense<0.000000e+00> : vector<128x1024xf32>
    %dot_general3A_30 = tpu.matmul %add3A, %get3A_28, %dot_general3A_29 {dimension_numbers = #tpu.dot_dimension_numbers<[1], [0], [0], [1], [0, 0, 1, 1], [], []>, transpose_lhs_hint = false} : vector<128x128xf32>, vector<128x1024xf32>, vector<128x1024xf32> -> vector<128x1024xf32>
    %get3A_31 = arith.constant 0 : index
    %get3A_32 = arith.constant 0 : index
    %get3A_33 = vector.load %arg2[%get3A_31, %get3A_32] : memref<1024x1024xf32, #tpu.memory_space<vmem>>, vector<1024x1024xf32>
    %dot_general3A_34 = arith.constant dense<0.000000e+00> : vector<128x1024xf32>
    %dot_general3A_35 = tpu.matmul %dot_general3A_30, %get3A_33, %dot_general3A_34 {dimension_numbers = #tpu.dot_dimension_numbers<[1], [0], [0], [1], [0, 0, 1, 1], [], []>, transpose_lhs_hint = false} : vector<128x1024xf32>, vector<1024x1024xf32>, vector<128x1024xf32> -> vector<128x1024xf32>
    %get3A_36 = arith.constant 0 : index
    %get3A_37 = arith.constant 0 : index
    %get3A_38 = vector.load %arg3[%get3A_36, %get3A_37] : memref<1x1024xf32, #tpu.memory_space<vmem>>, vector<1x1024xf32>
    %add3A_39 = vector.broadcast %get3A_38 : vector<1x1024xf32> to vector<128x1024xf32>
    %add3A_40 = arith.addf %dot_general3A_35, %add3A_39 : vector<128x1024xf32>
    %max3A = arith.constant 0.000000e+00 : f32
    %max3A_41 = vector.broadcast %max3A : f32 to vector<128x1024xf32>
    %max3A_42 = arith.maximumf %add3A_40, %max3A_41 : vector<128x1024xf32>
    %get3A_43 = arith.constant 0 : index
    %get3A_44 = arith.constant 0 : index
    %get3A_45 = vector.load %arg4[%get3A_43, %get3A_44] : memref<1024x1024xf32, #tpu.memory_space<vmem>>, vector<1024x1024xf32>
    %dot_general3A_46 = arith.constant dense<0.000000e+00> : vector<128x1024xf32>
    %dot_general3A_47 = tpu.matmul %max3A_42, %get3A_45, %dot_general3A_46 {dimension_numbers = #tpu.dot_dimension_numbers<[1], [0], [0], [1], [0, 0, 1, 1], [], []>, transpose_lhs_hint = false} : vector<128x1024xf32>, vector<1024x1024xf32>, vector<128x1024xf32> -> vector<128x1024xf32>
    %get3A_48 = arith.constant 0 : index
    %get3A_49 = arith.constant 0 : index
    %get3A_50 = vector.load %arg5[%get3A_48, %get3A_49] : memref<1x1024xf32, #tpu.memory_space<vmem>>, vector<1x1024xf32>
    %add3A_51 = vector.broadcast %get3A_50 : vector<1x1024xf32> to vector<128x1024xf32>
    %add3A_52 = arith.addf %dot_general3A_47, %add3A_51 : vector<128x1024xf32>
    %swap3A = arith.constant 0 : index
    %swap3A_53 = arith.constant 0 : index
    %swap3A_54 = vector.load %arg6[%swap3A, %swap3A_53] : memref<128x1024xf32, #tpu.memory_space<vmem>>, vector<128x1024xf32>
    tpu.vector_store %arg6[%swap3A, %swap3A_53], %add3A_52 {strides = array<i32>} : memref<128x1024xf32, #tpu.memory_space<vmem>>, vector<128x1024xf32>,
    return
  }
}

</mosaic_0001>

<sc_bundles>
// kernel: kernel.4.cloned.1.call-start
scs
__scs_entry_jumppad:
0x0: {  	(pc) =	sbr.rel $0x88, $3  }
0x1: {  	(tag) =	ssettag $0x0;
	lr =	simm.s32 $0x1  }
0x2: {  	[smem:$0x3F9A] =	sst lr;
	_ =	strace $0xD0000000  }
0x3: {  	_ = 	snop  }
0x4: {  	_ = 	snop  }
0x5: {  	_ = 	snop  }
0x6: {  	_ = 	snop  }
0x7: {  	_ = 	snop  }
__scs_overlays_trampoline_lowered:
0x8: {  	[smem:$0x3FA9] =	sst s0  }
0x9: {  	[smem:$0x3FAA] =	sst s1  }
0xa: {  	[smem:$0x3FAB] =	sst s2  }
0xb: {  	[smem:$0x3FAC] =	sst s3  }
0xc: {  	[smem:$0x3FAD] =	sst s4  }
0xd: {  	[smem:$0x3FAE] =	sst s5  }
0xe: {  	[smem:$0x3FAF] =	sst s6  }
0xf: {  	[smem:$0x3FB0] =	sst s7  }
0x10: {  	[smem:$0x3FB1] =	sst s8  }
0x11: {  	[smem:$0x3FB2] =	sst s9;
	s0 =	simm.s32 @!p0 $0x0  }
0x12: {  	s1 =	sld [smem:$0x3F98];
	s0 =	simm.s32 @p0 $0x1  }
0x13: {  	[smem:$0x3FB3] =	sst s0;
	s0 =	simm.s32 @!p1 $0x0  }
0x14: {  	s2 =	sld [smem:$0x3F97];
	s0 =	simm.s32 @p1 $0x1  }
0x15: {  	[smem:$0x3FB4] =	sst s0;
	s0 =	simm.s32 @!p2 $0x0  }
0x16: {  	s3 =	sld [smem:$0x3FDB];
	s0 =	simm.s32 @p2 $0x1  }
0x17: {  	s4 =	simm.s32 $0x1BF5;
	[smem:$0x3FB6] =	sst s0  }
0x18: {  	s0 =	sld [smem:$0x3F99];
	_ =	swait.ge [sflag:s4], $0x0  }
0x19: {  	s7 =	sld [smem:$0x3F9A]  }
0x1a: {  	s8 =	sadd.s32 $0xFFFFE003, lr  }
0x1b: {  	s9 =	sadd.s32 $0xFFFFFEF7, lr;
	s5 =	simm.s32 $0xFFFFFFFF;
	p2 =	slt.u32 s8, $0xFFFFF086  }
0x1c: {  	p1 =	slt.u32 s9, $0xF7A;
	s5 =	simm.s32 @!p2 $0x0  }
0x1d: {  	s5 =	simm.s32 @p1 $0x1;
	p0 =	seq.s32 s7, s2  }
0x1e: {  	s7 =	smul.u32 @!p0 $0xF7A, s2;
	p2 =	seq.s32 @!p0 s5, $0x0  }
0x1f: {  	s9 =	smul.u32 $0xF7A, s1;
	s8 =	simm.s32 @!p0 $0x1BF5;
	p2 =	por !p2, p0  }
0x20: {  	[sflag:s8] =	ssyncset.s32 @!p0 $0xFFFFF086;
	s6 =	sadd.s32 @!p0 s3, s7;
	s7 =	simm.s32 @!p0 $0x108  }
0x21: {  	s3 =	sadd.s32 s3, s9;
	s6 =	sadd.s32 @!p0 $0x88, s6;
	s7 =	simm.s32 @p2 $0x1082  }
0x22: {  	[simem:s7], [sflag:s8] =	dma.local @!p0 [hbm:s6], $0xF7A  }
0x23: {  	s9 =	sor.u32 $0xD0000000, s2;
	s6 =	simm.s32 $0x108;
	_ =	swait.ge @!p0 [sflag:s8], $0x0  }
0x24: {  	s3 =	sadd.s32 $0x88, s3;
	s6 =	simm.s32 @!p1 $0x1082;
	[sflag:s4] =	ssyncset.s32 $0xFFFFF086  }
0x25: {  	[simem:s6], [sflag:s4] =	dma.local [hbm:s3], $0xF7A  }
0x26: {  	[smem:$0x3F9A] =	sst s1;
	(tag) =	ssettag s2;
	_ =	strace s9  }
0x27: {  	s1 =	sld [smem:$0x3FAA]  }
0x28: {  	s2 =	sld [smem:$0x3FAB]  }
0x29: {  	s4 =	sld [smem:$0x3FAD]  }
0x2a: {  	p0 =	seq.s32 s5, $0x0;
	s5 =	sld [smem:$0x3FAE]  }
0x2b: {  	s6 =	sld [smem:$0x3FAF]  }
0x2c: {  	s7 =	sld [smem:$0x3FB0]  }
0x2d: {  	s3 =	simm.s32 $0x108;
	s8 =	sld [smem:$0x3FB1]  }
0x2e: {  	s3 =	simm.s32 @!p0 $0x1082;
	s9 =	sld [smem:$0x3FB2]  }
0x2f: {  	lr =	sadd.s32 s0, s3;
	s0 =	sld [smem:$0x3FA9]  }
0x30: {  	s3 =	sld [smem:$0x3FAC]  }
0x31: {  	[smem:$0x3FB5] =	sst s10  }
0x32: {  	s10 =	sld [smem:$0x3FB3];
	_ =	sdelay $0x3  }
0x33: {  	p0 =	seq.s32 s10, $0x1;
	s10 =	sld [smem:$0x3FB5];
	_ =	sdelay $0x3  }
0x34: {  	[smem:$0x3FB5] =	sst s10  }
0x35: {  	s10 =	sld [smem:$0x3FB4];
	_ =	sdelay $0x3  }
0x36: {  	p1 =	seq.s32 s10, $0x1;
	s10 =	sld [smem:$0x3FB5];
	_ =	sdelay $0x3  }
0x37: {  	[smem:$0x3FB5] =	sst s10  }
0x38: {  	s10 =	sld [smem:$0x3FB6]  }
0x39: {  	_ = 	snop;
	(pc) =	sbr.ind lr, $3  }
0x3a: {  	_ = 	snop  }
0x3b: {  	_ = 	snop  }
0x3c: {  	p2 =	seq.s32 s10, $0x1;
	s10 =	sld [smem:$0x3FB5]  }
0x3d: {  	_ =	shalt  }
0x3e: {  	_ =	shalt  }
0x3f: {  	_ =	shalt  }
0x40: {  	_ =	shalt  }
0x41: {  	_ =	shalt  }
0x42: {  	_ =	shalt  }
0x43: {  	_ =	shalt  }
0x44: {  	_ =	shalt  }
0x45: {  	_ =	shalt  }
0x46: {  	_ =	shalt  }
0x47: {  	_ =	shalt  }
0x48: {  	_ =	shalt  }
0x49: {  	_ =	shalt  }
0x4a: {  	_ =	shalt  }
0x4b: {  	_ =	shalt  }
0x4c: {  	_ =	shalt  }
0x4d: {  	_ =	shalt  }
0x4e: {  	_ =	shalt  }
0x4f: {  	_ =	shalt  }
0x50: {  	_ =	shalt  }
0x51: {  	_ =	shalt  }
0x52: {  	_ =	shalt  }
0x53: {  	_ =	shalt  }
0x54: {  	_ =	shalt  }
0x55: {  	_ =	shalt  }
0x56: {  	_ =	shalt  }
0x57: {  	_ =	shalt  }
0x58: {  	_ =	shalt  }
0x59: {  	_ =	shalt  }
0x5a: {  	_ =	shalt  }
0x5b: {  	_ =	shalt  }
0x5c: {  	_ =	shalt  }
0x5d: {  	_ =	shalt  }
0x5e: {  	_ =	shalt  }
0x5f: {  	_ =	shalt  }
0x60: {  	_ =	shalt  }
0x61: {  	_ =	shalt  }
0x62: {  	_ =	shalt  }
0x63: {  	_ =	shalt  }
0x64: {  	_ =	shalt  }
0x65: {  	_ =	shalt  }
0x66: {  	_ =	shalt  }
0x67: {  	_ =	shalt  }
0x68: {  	_ =	shalt  }
0x69: {  	_ =	shalt  }
0x6a: {  	_ =	shalt  }
0x6b: {  	_ =	shalt  }
0x6c: {  	_ =	shalt  }
0x6d: {  	_ =	shalt  }
0x6e: {  	_ =	shalt  }
0x6f: {  	_ =	shalt  }
0x70: {  	_ =	shalt  }
0x71: {  	_ =	shalt  }
0x72: {  	_ =	shalt  }
0x73: {  	_ =	shalt  }
0x74: {  	_ =	shalt  }
0x75: {  	_ =	shalt  }
0x76: {  	_ =	shalt  }
0x77: {  	_ =	shalt  }
0x78: {  	_ =	shalt  }
0x79: {  	_ =	shalt  }
0x7a: {  	_ =	shalt  }
0x7b: {  	_ =	shalt  }
0x7c: {  	_ =	shalt  }
0x7d: {  	_ =	shalt  }
0x7e: {  	_ =	shalt  }
0x7f: {  	_ =	shalt  }
0x80: {  	_ =	shalt  }
0x81: {  	_ =	shalt  }
0x82: {  	_ =	shalt  }
0x83: {  	_ =	shalt  }
0x84: {  	_ =	shalt  }
0x85: {  	_ =	shalt  }
0x86: {  	_ =	shalt  }
0x87: {  	_ =	shalt  }
.Lfunc_end0:
.L_simem_size_0:
called_computation_lowered:
.L_overlay_start_0:
0x88: {  	s2 =	sld [smem:$0x3FD9]  }
0x89: {  	s3 =	sld [smem:$0x3FFE];
	_ =	sdelay $0x1  }
0x8a: {  	s1 =	srdreg.scid  }
0x8b: {  	s0 =	sand.u32 $0x1, s1  }
0x8c: {  	s17 =	sshll.u32 s0, $0xA;
	s2 =	sadd.s32 s3, s2  }
0x8d: {  	s2 =	sadd.s32 s2, s17  }
0x8e: {  	[smem:$0x3FC1] =	sst s2  }
0x8f: {  	_ = 	snop  }
0x90: {  	s2 =	sld [smem:$0x3FD0];
	(tm) =	ssettm $0x1  }
0x91: {  	s18 =	sld [smem:$0x3FFB];
	_ =	sdelay $0x3  }
0x92: {  	_ =	strace s18  }
0x93: {  	s3 =	sld [smem:$0x3FFC];
	_ =	sdelay $0x3  }
0x94: {  	_ =	strace s3  }
0x95: {  	s3 =	sld [smem:$0x3FFD];
	_ =	sdelay $0x3  }
0x96: {  	_ =	strace s3  }
0x97: {  	_ =	strace $0x8FFFFFFF  }
0x98: {  	s19 =	sld [smem:$0x3FDB];
	_ =	sdelay $0x1  }
0x99: {  	s4 =	simm.s32 $_scs_section_size  }
0x9a: {  	s5 =	simm.s32 $_size__tile_overlayer_lowered;
	s6 =	simm.s32 $_tile_overlayer_lowered  }
0x9b: {  	s22 =	simm.s32 $0x1BFF;
	s21 =	sshll.u32 s6, $0x1;
	s3 =	sadd.s32 s4, s19  }
0x9c: {  	s7 =	simm.s32 $0x0;
	s20 =	sshll.u32 s5, $0x1;
	s5 =	sadd.s32 s21, s3  }
0x9d: {  	[timem:s7], [sflag:s22] =	dma.local [hbm:s5], s20  }
0x9e: {  	_ =	swait.ge [sflag:s22], s20  }
0x9f: {  	s4 =	ssub.s32 $0x0, s20;
	[sflag:s22] =	ssyncset.done $0x0  }
0xa0: {  	[sflag:s22] =	ssyncadd.s32 s4;
	_ =	sdelay $0x1  }
0xa1: {  	s23 =	simm.s32 $0x1B8B  }
0xa2: {  	_ =	swait.ge [sflag:s23], $0x1  }
0xa3: {  	[sflag:s23] =	ssyncset.done $0x0  }
0xa4: {  	s25 =	simm.s32 $0x1B8E;
	s24 =	sld [smem:$0x3FFE];
	[sflag:s23] =	ssyncadd.s32 $0xFFFFFFFF  }
0xa5: {  	s26 =	simm.s32 $execute0_lowered;
	[smem:$0x3FD2] =	sst s25  }
0xa6: {  	s5 =	sshll.u32 s26, $0x1;
	_ =	strace $0x80000046;
	[dreg:$0x1] =	wrdreg $0xFFFFFFFF  }
0xa7: {  	s28 =	simm.s32 $_size_execute0_lowered;
	s3 =	sadd.s32 s3, s5;
	[dreg:$0x0] =	wrdreg $0x0  }
0xa8: {  	s5 =	sshll.u32 s28, $0x1;
	[dreg:$0x2] =	wrdreg s3  }
0xa9: {  	[dreg:$0x3] =	wrdreg s5  }
0xaa: {  	[dreg:$0x4] =	wrdreg $0xC0  }
0xab: {  	_ =	task [dreg:s7], $0x5FFFF  }
0xac: {  	[dreg:$0x1] =	wrdreg $0xFFFFFFFF  }
0xad: {  	[dreg:$0x0] =	wrdreg $0x60  }
0xae: {  	[dreg:$0x2] =	wrdreg s24  }
0xaf: {  	[dreg:$0x3] =	wrdreg s2  }
0xb0: {  	[dreg:$0x4] =	wrdreg $0x9  }
0xb1: {  	_ =	task.clear_ibuf [dreg:s7], $0x5FFFF;
	_ =	strace $0x90000046  }
0xb2: {  	s29 =	simm.s32 $0x9;
	_ =	strace $0x80000048  }
0xb3: {  	_ =	swait.ge [sflag:s29], $0x1  }
0xb4: {  	[sflag:s29] =	ssyncadd.s32 $0xFFFFFFFF  }
0xb5: {  	_ =	strace $0x90000048  }
0xb6: {  	_ =	sfence  }
0xb7: {  	s30 =	sld [smem:$0x0];
	_ =	sdelay $0x2  }
0xb8: {  	s31 =	sshll.u32 s1, $0xD;
	s1 =	sshrl.u32 s1, $0x2  }
0xb9: {  	s3 =	sand.u32 $0x4000, s31;
	s1 =	sadd.s32 s1, s30  }
0xba: {  	s0 =	sor.u32 s3, s0;
	s1 =	sshll.u32 s1, $0x11  }
0xbb: {  	s0 =	sor.u32 s1, s0  }
0xbc: {  	s0 =	sadd.s32 $0x8F2B, s0  }
0xbd: {  	[sflag:s0] =	ssyncadd.remote.s32 $0x1  }
0xbe: {  	_ =	sfence.sel $0xFFFF  }
0xbf: {  	[dreg:$0x0] =	wrdreg $0xFFFFFFFF;
	(pc) =	sbr.abs _section_cstart, $3  }
0xc0: {  	[dreg:$0x1] =	wrdreg $0xFFFFFFFF  }
0xc1: {  	_ =	task.clear_ibuf [dreg:s7], $0x2FFFF;
	_ =	strace $0x9FFFFFFF  }
0xc2: {  	(tm) =	ssettm $0x7FFFFFFF  }
0xc3: {  	_ =	shalt  }
tec
execute0_lowered:
.L_overlay_start_1:
0x0: {  	(tag) =	ssettag $0x1  }
0x1: {  	s0 =	srdreg.scid  }
0x2: {  	s12 =	stileid.u32;
	s1 =	rddreg [dreg:$0x0]  }
0x3: {  	s4 =	rddreg [dreg:$0x1];
	s17 =	simm.s32 $0xE80;
	s28 =	simm.s32 $0x1680  }
0x4: {  	s15 =	simm.s32 $0x6;
	s31 =	simm.s32 $0x17E80;
	s19 =	simm.s32 $0xA680  }
0x5: {  	s20 =	simm.s32 $0x14680;
	s14 =	simm.s32 $0x19E80;
	s18 =	simm.s32 $0x1AE80  }
0x6: {  	s13 =	simm.s32 $0x1BE80;
	s29 =	simm.s32 $0x1D680;
	s30 =	simm.s32 $0x1DE80  }
0x7: {  	s0 =	sand.u32 $0x1, s0;
	s2 =	sshll.u32 s12, $0x1;
	s24 =	smul.u32 $0x64000, s12  }
0x8: {  	s7 =	sor.u32 s0, s2;
	s5 =	ssub.s32 $0x2, s0;
	s0 =	smul.u32 $0x32000, s0  }
0x9: {  	s12 =	simm.s32 $0x1;
	s2 =	simm.s32 $0x0;
	s3 =	smul.u32 $0x640, s7  }
0xa: {  	[smem:$0x7FF] =	sst s2;
	s8 =	sshrl.u32 s5, $0x1;
	s10 =	smul.u32 $0x190000, s7  }
0xb: {  	s22 =	sshll.u32 s7, $0x7;
	s11 =	smul.u32 $0x32000, s7;
	s7 =	sadd.s32 $0x2500, s1  }
0xc: {  	_ =	strace $0x80000047;
	s9 =	ssub.s32 s5, s8;
	s5 =	sadd.s32 $0x2300, s1  }
0xd: {  	v0 =	vmov s22;
	s8 =	simm.s32 $0x3;
	s22 =	simm.s32 $0x1CE80;
	s6 =	sshrl.u32 s3, $0x3  }
0xe: {  	s3 =	sadd.s32 $0x2200, s1;
	s23 =	sshrl.u32 s10, $0x3;
	s11 =	sadd.s32 s4, s11  }
0xf: {  	s26 =	smax.u32 s9, $0x1;
	s9 =	simm.s32 $0x0;
	s10 =	simm.s32 $0x680  }
0x10: {  	s6 =	sadd.s32 s6, s1;
	[dreg:$0x5] =	wrdreg s11;
	s11 =	sadd.s32 $0x1400, s11  }
0x11: {  	[dreg:$0x9] =	wrdreg s26;
	s21 =	sadd.s32 $0x800, s6;
	s6 =	sadd.s32 $0x2400, s1  }
0x12: {  	s1 =	sadd.s32 s4, s23;
	[dreg:$0x6] =	wrdreg s11;
	s4 =	sadd.s32 s24, s4  }
0x13: {  	s23 =	simm.s32 $0x2;
	[dreg:$0x4] =	wrdreg s21;
	s25 =	sadd.s32 $0x2800, s1  }
0x14: {  	s24 =	simm.s32 $0x4;
	s1 =	sadd.s32 $0x30C00, s1;
	[dreg:$0x7] =	wrdreg s25  }
0x15: {  	v3 =	vlaneseq.u32;
	s11 =	simm.s32 $0x1A680;
	s0 =	sadd.s32 s0, s4;
	[dreg:$0x8] =	wrdreg s1  }
0x16: {  	vm0 =	vmmov $0xffff;
	v2 =	vshrl.u32 v3, $0x3;
	s4 =	simm.s32 $0x14680;
	s21 =	simm.s32 $0x1C680;
	[dreg:$0x3] =	wrdreg s0  }
0x17: {  	v1 =	vand.u32 $0x7, v3;
	v3 =	vor.u32 $0x8, v3;
	v2 =	vmul.u32 $0x8, v2;
	s0 =	simm.s32 $0x680;
	s1 =	simm.s32 $0xA680;
	s25 =	simm.s32 $0x5  }
.LBB2_1:
0x18: {  	[dreg:$0xa] =	wrdreg s9  }
0x19: {  	s16 =	rddreg [dreg:$0x4];
	s26 =	simm.s32 $0x7  }
0x1a: {  	[tilespmem:s2], [sflag:$0x7] =	stream.linear.gather [hbm4b:s16+s2], $0x640, $0x38;
	[tilespmem:$0x1E680] =	vst v63  }
0x1b: {  	_ =	swait.ge [sflag:s26], $0x640  }
0x1c: {  	[sflag:s26] =	ssyncset.done $0x0  }
0x1d: {  	s16 =	simm.s32 $0x0;
	[sflag:s26] =	ssyncadd.s32 $0xFFFFF9C0;
	s26 =	simm.s32 $0x40  }
.LBB2_2:
0x1e: {  	p0 =	sne.s32 s26, $0x18C0;
	v4 =	vld [tilespmem:s16+$0x0];
	_ =	sdelay $0x1  }
.Ltmp0:
0x1f: {  	(pc) =	sbr.rel @p0 .LBB2_2-.Ltmp0, $3  }
0x20: {  	_ =	sdelay $0x1  }
0x21: {  	v4 =	vadd.s32 v0, v4  }
0x22: {  	[tilespmem:s16+$0x0] =	vst v4;
	s16 =	sshra.s32 s26, $0x2;
	s26 =	sadd.s32 $0x40, s26  }
0x23: {  	v4 =	vld [tilespmem:s16+$0x0];
	_ =	sdelay $0x4  }
0x24: {  	v4 =	vadd.s32 v0, v4  }
0x25: {  	[tilespmem:s16+$0x0] =	vst v4  }
0x26: {  	v4 =	vld [tilespmem:$0x0];
	_ =	sdelay $0x4  }
0x27: {  	v5 =	vshll.u32 v4, $0x3  }
0x28: {  	v4 =	vand.u32 $0x7, v4;
	v5 =	vand.u32 $0xFFFFFFC0, v5  }
0x29: {  	v4 =	vor.u32 v4, v5  }
0x2a: {  	v5 =	vperm.xlane v4, v1;
	_ =	sdelay $0x1  }
0x2b: {  	v5 =	vadd.s32 v2, v5;
	_ =	sdelay $0x3  }
0x2c: {  	s26 =	simm.s32 $0x0  }
0x2d: {  	[tilespmem:s0], [sflag:$0x1] =	stream.indirect_vreg.gather [hbm4b:s3+s26], $0x80, v5, vm0, $0xb8;
	[tilespmem:$0x1E680] =	vst v63  }
0x2e: {  	v4 =	vperm.xlane v4, v3  }
0x2f: {  	[tilespmem:s17], [sflag:$0x1] =	stream.indirect_vreg.gather [hbm4b:s5+s26], $0x80, v5, vm0, $0xb8;
	[tilespmem:$0x1E680] =	vst v63  }
0x30: {  	v4 =	vadd.s32 v2, v4  }
0x31: {  	[tilespmem:s28], [sflag:$0x1] =	stream.indirect_vreg.gather [hbm4b:s6+s26], $0x80, v5, vm0, $0xb8;
	[tilespmem:$0x1E680] =	vst v63  }
0x32: {  	s16 =	simm.s32 $0x1E80  }
0x33: {  	[tilespmem:s16], [sflag:$0x1] =	stream.indirect_vreg.gather [hbm4b:s7+s26], $0x80, v5, vm0, $0xb8;
	[tilespmem:$0x1E680] =	vst v63  }
0x34: {  	s9 =	simm.s32 $0x2680  }
0x35: {  	[tilespmem:s9], [sflag:$0x1] =	stream.indirect_vreg.gather [hbm4b:s3+s26], $0x80, v4, vm0, $0xb8;
	[tilespmem:$0x1E680] =	vst v63  }
0x36: {  	s16 =	simm.s32 $0x2E80  }
0x37: {  	[tilespmem:s16], [sflag:$0x1] =	stream.indirect_vreg.gather [hbm4b:s5+s26], $0x80, v4, vm0, $0xb8;
	[tilespmem:$0x1E680] =	vst v63  }
0x38: {  	s9 =	simm.s32 $0x3680  }
0x39: {  	[tilespmem:s9], [sflag:$0x1] =	stream.indirect_vreg.gather [hbm4b:s6+s26], $0x80, v4, vm0, $0xb8;
	[tilespmem:$0x1E680] =	vst v63  }
0x3a: {  	s16 =	simm.s32 $0x3E80  }
0x3b: {  	[tilespmem:s16], [sflag:$0x1] =	stream.indirect_vreg.gather [hbm4b:s7+s26], $0x80, v4, vm0, $0xb8;
	[tilespmem:$0x1E680] =	vst v63  }
0x3c: {  	v4 =	vld [tilespmem:$0x10];
	_ =	sdelay $0x4  }
0x3d: {  	v5 =	vshll.u32 v4, $0x3  }
0x3e: {  	v4 =	vand.u32 $0x7, v4;
	v5 =	vand.u32 $0xFFFFFFC0, v5  }
0x3f: {  	v4 =	vor.u32 v4, v5  }
0x40: {  	v5 =	vperm.xlane v4, v1;
	_ =	sdelay $0x1  }
0x41: {  	v5 =	vadd.s32 v2, v5;
	_ =	sdelay $0x3  }
0x42: {  	s9 =	simm.s32 $0x4680  }
0x43: {  	[tilespmem:s9], [sflag:$0x1] =	stream.indirect_vreg.gather [hbm4b:s3+s26], $0x80, v5, vm0, $0xb8;
	[tilespmem:$0x1E680] =	vst v63  }
0x44: {  	s16 =	simm.s32 $0x4E80;
	v4 =	vperm.xlane v4, v3  }
0x45: {  	[tilespmem:s16], [sflag:$0x1] =	stream.indirect_vreg.gather [hbm4b:s5+s26], $0x80, v5, vm0, $0xb8;
	[tilespmem:$0x1E680] =	vst v63  }
0x46: {  	v4 =	vadd.s32 v2, v4;
	s9 =	simm.s32 $0x5680  }
0x47: {  	[tilespmem:s9], [sflag:$0x1] =	stream.indirect_vreg.gather [hbm4b:s6+s26], $0x80, v5, vm0, $0xb8;
	[tilespmem:$0x1E680] =	vst v63  }
0x48: {  	s16 =	simm.s32 $0x5E80  }
0x49: {  	[tilespmem:s16], [sflag:$0x1] =	stream.indirect_vreg.gather [hbm4b:s7+s26], $0x80, v5, vm0, $0xb8;
	[tilespmem:$0x1E680] =	vst v63  }
0x4a: {  	s9 =	simm.s32 $0x6680  }
0x4b: {  	[tilespmem:s9], [sflag:$0x1] =	stream.indirect_vreg.gather [hbm4b:s3+s26], $0x80, v4, vm0, $0xb8;
	[tilespmem:$0x1E680] =	vst v63  }
0x4c: {  	s16 =	simm.s32 $0x6E80  }
0x4d: {  	[tilespmem:s16], [sflag:$0x1] =	stream.indirect_vreg.gather [hbm4b:s5+s26], $0x80, v4, vm0, $0xb8;
	[tilespmem:$0x1E680] =	vst v63  }
0x4e: {  	s9 =	simm.s32 $0x7680  }
0x4f: {  	[tilespmem:s9], [sflag:$0x1] =	stream.indirect_vreg.gather [hbm4b:s6+s26], $0x80, v4, vm0, $0xb8;
	[tilespmem:$0x1E680] =	vst v63  }
0x50: {  	s16 =	simm.s32 $0x7E80  }
0x51: {  	[tilespmem:s16], [sflag:$0x1] =	stream.indirect_vreg.gather [hbm4b:s7+s26], $0x80, v4, vm0, $0xb8;
	[tilespmem:$0x1E680] =	vst v63  }
0x52: {  	v4 =	vld.msk [tilespmem:$0x20], $0xff;
	_ =	sdelay $0x4  }
0x53: {  	v5 =	vshll.u32 v4, $0x3  }
0x54: {  	v4 =	vand.u32 $0x7, v4;
	v5 =	vand.u32 $0xFFFFFFC0, v5  }
0x55: {  	v4 =	vor.u32 v4, v5  }
0x56: {  	v4 =	vperm.xlane v4, v1;
	_ =	sdelay $0x1  }
0x57: {  	v4 =	vadd.s32 v2, v4;
	_ =	sdelay $0x3  }
0x58: {  	s9 =	simm.s32 $0x8680  }
0x59: {  	[tilespmem:s9], [sflag:$0x1] =	stream.indirect_vreg.gather [hbm4b:s3+s26], $0x80, v4, vm0, $0xb8;
	[tilespmem:$0x1E680] =	vst v63  }
0x5a: {  	s16 =	simm.s32 $0x8E80  }
0x5b: {  	[tilespmem:s16], [sflag:$0x1] =	stream.indirect_vreg.gather [hbm4b:s5+s26], $0x80, v4, vm0, $0xb8;
	[tilespmem:$0x1E680] =	vst v63  }
0x5c: {  	s9 =	simm.s32 $0x9680  }
0x5d: {  	[tilespmem:s9], [sflag:$0x1] =	stream.indirect_vreg.gather [hbm4b:s6+s26], $0x80, v4, vm0, $0xb8;
	[tilespmem:$0x1E680] =	vst v63  }
0x5e: {  	s16 =	simm.s32 $0x9E80  }
0x5f: {  	[tilespmem:s16], [sflag:$0x1] =	stream.indirect_vreg.gather [hbm4b:s7+s26], $0x80, v4, vm0, $0xb8;
	[tilespmem:$0x1E680] =	vst v63  }
0x60: {  	v4 =	vld [tilespmem:$0x28];
	_ =	sdelay $0x4  }
0x61: {  	v5 =	vshll.u32 v4, $0x3  }
0x62: {  	v4 =	vand.u32 $0x7, v4;
	v5 =	vand.u32 $0xFFFFFFC0, v5  }
0x63: {  	v4 =	vor.u32 v4, v5  }
0x64: {  	v5 =	vperm.xlane v4, v1;
	_ =	sdelay $0x1  }
0x65: {  	v5 =	vadd.s32 v2, v5;
	_ =	sdelay $0x4  }
0x66: {  	[tilespmem:s1], [sflag:$0x2] =	stream.indirect_vreg.gather [hbm4b:s3+s26], $0x80, v5, vm0, $0xb8;
	[tilespmem:$0x1E680] =	vst v63  }
0x67: {  	v4 =	vperm.xlane v4, v3;
	s1 =	simm.s32 $0xAE80  }
0x68: {  	[tilespmem:s1], [sflag:$0x2] =	stream.indirect_vreg.gather [hbm4b:s5+s26], $0x80, v5, vm0, $0xb8;
	[tilespmem:$0x1E680] =	vst v63  }
0x69: {  	s9 =	simm.s32 $0xB680;
	v4 =	vadd.s32 v2, v4  }
0x6a: {  	[tilespmem:s9], [sflag:$0x2] =	stream.indirect_vreg.gather [hbm4b:s6+s26], $0x80, v5, vm0, $0xb8;
	[tilespmem:$0x1E680] =	vst v63  }
0x6b: {  	s16 =	simm.s32 $0xBE80  }
0x6c: {  	[tilespmem:s16], [sflag:$0x2] =	stream.indirect_vreg.gather [hbm4b:s7+s26], $0x80, v5, vm0, $0xb8;
	[tilespmem:$0x1E680] =	vst v63  }
0x6d: {  	s1 =	simm.s32 $0xC680  }
0x6e: {  	[tilespmem:s1], [sflag:$0x2] =	stream.indirect_vreg.gather [hbm4b:s3+s26], $0x80, v4, vm0, $0xb8;
	[tilespmem:$0x1E680] =	vst v63  }
0x6f: {  	s9 =	simm.s32 $0xCE80  }
0x70: {  	[tilespmem:s9], [sflag:$0x2] =	stream.indirect_vreg.gather [hbm4b:s5+s26], $0x80, v4, vm0, $0xb8;
	[tilespmem:$0x1E680] =	vst v63  }
0x71: {  	s16 =	simm.s32 $0xD680  }
0x72: {  	[tilespmem:s16], [sflag:$0x2] =	stream.indirect_vreg.gather [hbm4b:s6+s26], $0x80, v4, vm0, $0xb8;
	[tilespmem:$0x1E680] =	vst v63  }
0x73: {  	s1 =	simm.s32 $0xDE80  }
0x74: {  	[tilespmem:s1], [sflag:$0x2] =	stream.indirect_vreg.gather [hbm4b:s7+s26], $0x80, v4, vm0, $0xb8;
	[tilespmem:$0x1E680] =	vst v63  }
0x75: {  	v4 =	vld [tilespmem:$0x38];
	_ =	sdelay $0x4  }
0x76: {  	v5 =	vshll.u32 v4, $0x3  }
0x77: {  	v4 =	vand.u32 $0x7, v4;
	v5 =	vand.u32 $0xFFFFFFC0, v5  }
0x78: {  	v4 =	vor.u32 v4, v5  }
0x79: {  	v5 =	vperm.xlane v4, v1;
	_ =	sdelay $0x1  }
0x7a: {  	v5 =	vadd.s32 v2, v5;
	_ =	sdelay $0x3  }
0x7b: {  	s9 =	simm.s32 $0xE680  }
0x7c: {  	[tilespmem:s9], [sflag:$0x2] =	stream.indirect_vreg.gather [hbm4b:s3+s26], $0x80, v5, vm0, $0xb8;
	[tilespmem:$0x1E680] =	vst v63  }
0x7d: {  	s16 =	simm.s32 $0xEE80;
	v4 =	vperm.xlane v4, v3  }
0x7e: {  	[tilespmem:s16], [sflag:$0x2] =	stream.indirect_vreg.gather [hbm4b:s5+s26], $0x80, v5, vm0, $0xb8;
	[tilespmem:$0x1E680] =	vst v63  }
0x7f: {  	s1 =	simm.s32 $0xF680;
	v4 =	vadd.s32 v2, v4  }
0x80: {  	[tilespmem:s1], [sflag:$0x2] =	stream.indirect_vreg.gather [hbm4b:s6+s26], $0x80, v5, vm0, $0xb8;
	[tilespmem:$0x1E680] =	vst v63  }
0x81: {  	s9 =	simm.s32 $0xFE80  }
0x82: {  	[tilespmem:s9], [sflag:$0x2] =	stream.indirect_vreg.gather [hbm4b:s7+s26], $0x80, v5, vm0, $0xb8;
	[tilespmem:$0x1E680] =	vst v63  }
0x83: {  	s16 =	simm.s32 $0x10680  }
0x84: {  	[tilespmem:s16], [sflag:$0x2] =	stream.indirect_vreg.gather [hbm4b:s3+s26], $0x80, v4, vm0, $0xb8;
	[tilespmem:$0x1E680] =	vst v63  }
0x85: {  	s1 =	simm.s32 $0x10E80  }
0x86: {  	[tilespmem:s1], [sflag:$0x2] =	stream.indirect_vreg.gather [hbm4b:s5+s26], $0x80, v4, vm0, $0xb8;
	[tilespmem:$0x1E680] =	vst v63  }
0x87: {  	s9 =	simm.s32 $0x11680  }
0x88: {  	[tilespmem:s9], [sflag:$0x2] =	stream.indirect_vreg.gather [hbm4b:s6+s26], $0x80, v4, vm0, $0xb8;
	[tilespmem:$0x1E680] =	vst v63  }
0x89: {  	s16 =	simm.s32 $0x11E80  }
0x8a: {  	[tilespmem:s16], [sflag:$0x2] =	stream.indirect_vreg.gather [hbm4b:s7+s26], $0x80, v4, vm0, $0xb8;
	[tilespmem:$0x1E680] =	vst v63  }
0x8b: {  	v4 =	vld.msk [tilespmem:$0x48], $0xff;
	_ =	sdelay $0x4  }
0x8c: {  	v5 =	vshll.u32 v4, $0x3  }
0x8d: {  	v4 =	vand.u32 $0x7, v4;
	v5 =	vand.u32 $0xFFFFFFC0, v5  }
0x8e: {  	v4 =	vor.u32 v4, v5  }
0x8f: {  	v4 =	vperm.xlane v4, v1;
	_ =	sdelay $0x1  }
0x90: {  	v4 =	vadd.s32 v2, v4;
	_ =	sdelay $0x3  }
0x91: {  	s1 =	simm.s32 $0x12680  }
0x92: {  	[tilespmem:s1], [sflag:$0x2] =	stream.indirect_vreg.gather [hbm4b:s3+s26], $0x80, v4, vm0, $0xb8;
	[tilespmem:$0x1E680] =	vst v63  }
0x93: {  	s9 =	simm.s32 $0x12E80  }
0x94: {  	[tilespmem:s9], [sflag:$0x2] =	stream.indirect_vreg.gather [hbm4b:s5+s26], $0x80, v4, vm0, $0xb8;
	[tilespmem:$0x1E680] =	vst v63  }
0x95: {  	s16 =	simm.s32 $0x13680  }
0x96: {  	[tilespmem:s16], [sflag:$0x2] =	stream.indirect_vreg.gather [hbm4b:s6+s26], $0x80, v4, vm0, $0xb8;
	[tilespmem:$0x1E680] =	vst v63  }
0x97: {  	s1 =	simm.s32 $0x13E80  }
0x98: {  	[tilespmem:s1], [sflag:$0x2] =	stream.indirect_vreg.gather [hbm4b:s7+s26], $0x80, v4, vm0, $0xb8;
	[tilespmem:$0x1E680] =	vst v63  }
0x99: {  	v4 =	vld [tilespmem:$0x50];
	_ =	sdelay $0x4  }
0x9a: {  	v5 =	vshll.u32 v4, $0x3  }
0x9b: {  	v4 =	vand.u32 $0x7, v4;
	v5 =	vand.u32 $0xFFFFFFC0, v5  }
0x9c: {  	v4 =	vor.u32 v4, v5  }
0x9d: {  	v5 =	vperm.xlane v4, v1;
	_ =	sdelay $0x1  }
0x9e: {  	v5 =	vadd.s32 v2, v5;
	_ =	sdelay $0x4  }
0x9f: {  	[tilespmem:s4], [sflag:$0x3] =	stream.indirect_vreg.gather [hbm4b:s3+s26], $0x80, v5, vm0, $0xb8;
	[tilespmem:$0x1E680] =	vst v63  }
0xa0: {  	s9 =	simm.s32 $0x14E80;
	v4 =	vperm.xlane v4, v3  }
0xa1: {  	[tilespmem:s9], [sflag:$0x3] =	stream.indirect_vreg.gather [hbm4b:s5+s26], $0x80, v5, vm0, $0xb8;
	[tilespmem:$0x1E680] =	vst v63  }
0xa2: {  	s16 =	simm.s32 $0x15680;
	v4 =	vadd.s32 v2, v4  }
0xa3: {  	[tilespmem:s16], [sflag:$0x3] =	stream.indirect_vreg.gather [hbm4b:s6+s26], $0x80, v5, vm0, $0xb8;
	[tilespmem:$0x1E680] =	vst v63  }
0xa4: {  	s1 =	simm.s32 $0x15E80  }
0xa5: {  	[tilespmem:s1], [sflag:$0x3] =	stream.indirect_vreg.gather [hbm4b:s7+s26], $0x80, v5, vm0, $0xb8;
	[tilespmem:$0x1E680] =	vst v63  }
0xa6: {  	s4 =	simm.s32 $0x16680  }
0xa7: {  	[tilespmem:s4], [sflag:$0x3] =	stream.indirect_vreg.gather [hbm4b:s3+s26], $0x80, v4, vm0, $0xb8;
	[tilespmem:$0x1E680] =	vst v63  }
0xa8: {  	s9 =	simm.s32 $0x16E80  }
0xa9: {  	[tilespmem:s9], [sflag:$0x3] =	stream.indirect_vreg.gather [hbm4b:s5+s26], $0x80, v4, vm0, $0xb8;
	[tilespmem:$0x1E680] =	vst v63  }
0xaa: {  	s16 =	simm.s32 $0x17680  }
0xab: {  	[tilespmem:s16], [sflag:$0x3] =	stream.indirect_vreg.gather [hbm4b:s6+s26], $0x80, v4, vm0, $0xb8;
	[tilespmem:$0x1E680] =	vst v63  }
0xac: {  	_ = 	snop  }
0xad: {  	[tilespmem:s31], [sflag:$0x3] =	stream.indirect_vreg.gather [hbm4b:s7+s26], $0x80, v4, vm0, $0xb8;
	[tilespmem:$0x1E680] =	vst v63  }
0xae: {  	v4 =	vld [tilespmem:$0x60];
	_ =	sdelay $0x4  }
0xaf: {  	v5 =	vshll.u32 v4, $0x3  }
0xb0: {  	v4 =	vand.u32 $0x7, v4;
	v5 =	vand.u32 $0xFFFFFFC0, v5  }
0xb1: {  	v4 =	vor.u32 v4, v5  }
0xb2: {  	v5 =	vperm.xlane v4, v1;
	_ =	sdelay $0x1  }
0xb3: {  	v5 =	vadd.s32 v2, v5;
	_ =	sdelay $0x3  }
0xb4: {  	s0 =	simm.s32 $0x18680  }
0xb5: {  	[tilespmem:s0], [sflag:$0x3] =	stream.indirect_vreg.gather [hbm4b:s3+s26], $0x80, v5, vm0, $0xb8;
	[tilespmem:$0x1E680] =	vst v63  }
0xb6: {  	s1 =	simm.s32 $0x18E80;
	v4 =	vperm.xlane v4, v3  }
0xb7: {  	[tilespmem:s1], [sflag:$0x3] =	stream.indirect_vreg.gather [hbm4b:s5+s26], $0x80, v5, vm0, $0xb8;
	[tilespmem:$0x1E680] =	vst v63  }
0xb8: {  	s4 =	simm.s32 $0x19680;
	v4 =	vadd.s32 v2, v4  }
0xb9: {  	[tilespmem:s4], [sflag:$0x3] =	stream.indirect_vreg.gather [hbm4b:s6+s26], $0x80, v5, vm0, $0xb8;
	[tilespmem:$0x1E680] =	vst v63  }
0xba: {  	_ = 	snop  }
0xbb: {  	[tilespmem:s14], [sflag:$0x3] =	stream.indirect_vreg.gather [hbm4b:s7+s26], $0x80, v5, vm0, $0xb8;
	[tilespmem:$0x1E680] =	vst v63  }
0xbc: {  	_ = 	snop  }
0xbd: {  	[tilespmem:s11], [sflag:$0x3] =	stream.indirect_vreg.gather [hbm4b:s3+s26], $0x80, v4, vm0, $0xb8;
	[tilespmem:$0x1E680] =	vst v63  }
0xbe: {  	_ = 	snop  }
0xbf: {  	[tilespmem:s18], [sflag:$0x3] =	stream.indirect_vreg.gather [hbm4b:s5+s26], $0x80, v4, vm0, $0xb8;
	[tilespmem:$0x1E680] =	vst v63  }
0xc0: {  	s9 =	simm.s32 $0x1B680  }
0xc1: {  	[tilespmem:s9], [sflag:$0x3] =	stream.indirect_vreg.gather [hbm4b:s6+s26], $0x80, v4, vm0, $0xb8;
	[tilespmem:$0x1E680] =	vst v63  }
0xc2: {  	_ = 	snop  }
0xc3: {  	[tilespmem:s13], [sflag:$0x3] =	stream.indirect_vreg.gather [hbm4b:s7+s26], $0x80, v4, vm0, $0xb8;
	[tilespmem:$0x1E680] =	vst v63  }
0xc4: {  	v4 =	vld.msk [tilespmem:$0x70], $0xff;
	_ =	sdelay $0x4  }
0xc5: {  	v5 =	vshll.u32 v4, $0x3  }
0xc6: {  	v4 =	vand.u32 $0x7, v4;
	v5 =	vand.u32 $0xFFFFFFC0, v5  }
0xc7: {  	v4 =	vor.u32 v4, v5  }
0xc8: {  	v4 =	vperm.xlane v4, v1;
	_ =	sdelay $0x1  }
0xc9: {  	v4 =	vadd.s32 v2, v4;
	_ =	sdelay $0x4  }
0xca: {  	[tilespmem:s21], [sflag:$0x3] =	stream.indirect_vreg.gather [hbm4b:s3+s26], $0x80, v4, vm0, $0xb8;
	[tilespmem:$0x1E680] =	vst v63  }
0xcb: {  	_ = 	snop  }
0xcc: {  	[tilespmem:s22], [sflag:$0x3] =	stream.indirect_vreg.gather [hbm4b:s5+s26], $0x80, v4, vm0, $0xb8;
	[tilespmem:$0x1E680] =	vst v63  }
0xcd: {  	_ = 	snop  }
0xce: {  	[tilespmem:s29], [sflag:$0x3] =	stream.indirect_vreg.gather [hbm4b:s6+s26], $0x80, v4, vm0, $0xb8;
	[tilespmem:$0x1E680] =	vst v63  }
0xcf: {  	_ = 	snop  }
0xd0: {  	[tilespmem:s30], [sflag:$0x3] =	stream.indirect_vreg.gather [hbm4b:s7+s26], $0x80, v4, vm0, $0xb8;
	[tilespmem:$0x1E680] =	vst v63  }
0xd1: {  	_ =	swait.ge [sflag:s12], $0xA000  }
0xd2: {  	[sflag:s12] =	ssyncset.done $0x0  }
0xd3: {  	s16 =	rddreg [dreg:$0x5];
	[sflag:s12] =	ssyncadd.s32 $0xFFFF6000  }
0xd4: {  	[hbm4b:s16+s26] =	stream.linear.scatter [tilespmem:s10], [sflag:$0x4], $0xA000, $0x38;
	[tilespmem:$0x1E680] =	vst v63  }
0xd5: {  	_ =	swait.ge [sflag:s23], $0xA000  }
0xd6: {  	[sflag:s23] =	ssyncset.done $0x0  }
0xd7: {  	s16 =	rddreg [dreg:$0x6];
	[sflag:s23] =	ssyncadd.s32 $0xFFFF6000  }
0xd8: {  	[hbm4b:s16+s26] =	stream.linear.scatter [tilespmem:s19], [sflag:$0x5], $0xA000, $0x38;
	[tilespmem:$0x1E680] =	vst v63  }
0xd9: {  	_ =	swait.ge [sflag:s8], $0xA000  }
0xda: {  	[sflag:s8] =	ssyncset.done $0x0  }
0xdb: {  	s16 =	rddreg [dreg:$0x7];
	[sflag:s8] =	ssyncadd.s32 $0xFFFF6000  }
0xdc: {  	[hbm4b:s16+s26] =	stream.linear.scatter [tilespmem:s20], [sflag:$0x6], $0xA000, $0x38;
	[tilespmem:$0x1E680] =	vst v63  }
0xdd: {  	s16 =	simm.s32 $0xE8  }
.LBB2_4:
0xde: {  	_ =	swait.ge [sflag:s24], $0xA000  }
0xdf: {  	[sflag:s24] =	ssyncset.done $0x0  }
0xe0: {  	[sflag:s24] =	ssyncadd.s32 $0xFFFF6000  }
0xe1: {  	v4 =	vld [tilespmem:s16+$0xFFFFFF90];
	_ =	sdelay $0x4  }
0xe2: {  	v5 =	vshll.u32 v4, $0x3  }
0xe3: {  	v4 =	vand.u32 $0x7, v4;
	v5 =	vand.u32 $0xFFFFFFC0, v5  }
0xe4: {  	v4 =	vor.u32 v4, v5  }
0xe5: {  	v5 =	vperm.xlane v4, v1;
	_ =	sdelay $0x1  }
0xe6: {  	v5 =	vadd.s32 v2, v5;
	_ =	sdelay $0x4  }
0xe7: {  	[tilespmem:s10], [sflag:$0x1] =	stream.indirect_vreg.gather [hbm4b:s3+s2], $0x80, v5, vm0, $0xb8;
	[tilespmem:$0x1E680] =	vst v63  }
0xe8: {  	v4 =	vperm.xlane v4, v3  }
0xe9: {  	[tilespmem:s17], [sflag:$0x1] =	stream.indirect_vreg.gather [hbm4b:s5+s2], $0x80, v5, vm0, $0xb8;
	[tilespmem:$0x1E680] =	vst v63  }
0xea: {  	v4 =	vadd.s32 v2, v4  }
0xeb: {  	[tilespmem:s28], [sflag:$0x1] =	stream.indirect_vreg.gather [hbm4b:s6+s2], $0x80, v5, vm0, $0xb8;
	[tilespmem:$0x1E680] =	vst v63  }
0xec: {  	s17 =	simm.s32 $0x1E80  }
0xed: {  	[tilespmem:s17], [sflag:$0x1] =	stream.indirect_vreg.gather [hbm4b:s7+s2], $0x80, v5, vm0, $0xb8;
	[tilespmem:$0x1E680] =	vst v63  }
0xee: {  	s17 =	simm.s32 $0x2680  }
0xef: {  	[tilespmem:s17], [sflag:$0x1] =	stream.indirect_vreg.gather [hbm4b:s3+s2], $0x80, v4, vm0, $0xb8;
	[tilespmem:$0x1E680] =	vst v63  }
0xf0: {  	s17 =	simm.s32 $0x2E80  }
0xf1: {  	[tilespmem:s17], [sflag:$0x1] =	stream.indirect_vreg.gather [hbm4b:s5+s2], $0x80, v4, vm0, $0xb8;
	[tilespmem:$0x1E680] =	vst v63  }
0xf2: {  	s17 =	simm.s32 $0x3680  }
0xf3: {  	[tilespmem:s17], [sflag:$0x1] =	stream.indirect_vreg.gather [hbm4b:s6+s2], $0x80, v4, vm0, $0xb8;
	[tilespmem:$0x1E680] =	vst v63  }
0xf4: {  	s17 =	simm.s32 $0x3E80  }
0xf5: {  	[tilespmem:s17], [sflag:$0x1] =	stream.indirect_vreg.gather [hbm4b:s7+s2], $0x80, v4, vm0, $0xb8;
	[tilespmem:$0x1E680] =	vst v63  }
0xf6: {  	v4 =	vld [tilespmem:s16+$0xFFFFFFA0];
	_ =	sdelay $0x4  }
0xf7: {  	v5 =	vshll.u32 v4, $0x3  }
0xf8: {  	v4 =	vand.u32 $0x7, v4;
	v5 =	vand.u32 $0xFFFFFFC0, v5  }
0xf9: {  	v4 =	vor.u32 v4, v5  }
0xfa: {  	v5 =	vperm.xlane v4, v1;
	_ =	sdelay $0x1  }
0xfb: {  	v5 =	vadd.s32 v2, v5;
	_ =	sdelay $0x3  }
0xfc: {  	s17 =	simm.s32 $0x4680  }
0xfd: {  	[tilespmem:s17], [sflag:$0x1] =	stream.indirect_vreg.gather [hbm4b:s3+s2], $0x80, v5, vm0, $0xb8;
	[tilespmem:$0x1E680] =	vst v63  }
0xfe: {  	v4 =	vperm.xlane v4, v3;
	s17 =	simm.s32 $0x4E80  }
0xff: {  	[tilespmem:s17], [sflag:$0x1] =	stream.indirect_vreg.gather [hbm4b:s5+s2], $0x80, v5, vm0, $0xb8;
	[tilespmem:$0x1E680] =	vst v63  }
0x100: {  	v4 =	vadd.s32 v2, v4;
	s17 =	simm.s32 $0x5680  }
0x101: {  	[tilespmem:s17], [sflag:$0x1] =	stream.indirect_vreg.gather [hbm4b:s6+s2], $0x80, v5, vm0, $0xb8;
	[tilespmem:$0x1E680] =	vst v63  }
0x102: {  	s17 =	simm.s32 $0x5E80  }
0x103: {  	[tilespmem:s17], [sflag:$0x1] =	stream.indirect_vreg.gather [hbm4b:s7+s2], $0x80, v5, vm0, $0xb8;
	[tilespmem:$0x1E680] =	vst v63  }
0x104: {  	s17 =	simm.s32 $0x6680  }
0x105: {  	[tilespmem:s17], [sflag:$0x1] =	stream.indirect_vreg.gather [hbm4b:s3+s2], $0x80, v4, vm0, $0xb8;
	[tilespmem:$0x1E680] =	vst v63  }
0x106: {  	s17 =	simm.s32 $0x6E80  }
0x107: {  	[tilespmem:s17], [sflag:$0x1] =	stream.indirect_vreg.gather [hbm4b:s5+s2], $0x80, v4, vm0, $0xb8;
	[tilespmem:$0x1E680] =	vst v63  }
0x108: {  	s17 =	simm.s32 $0x7680  }
0x109: {  	[tilespmem:s17], [sflag:$0x1] =	stream.indirect_vreg.gather [hbm4b:s6+s2], $0x80, v4, vm0, $0xb8;
	[tilespmem:$0x1E680] =	vst v63  }
0x10a: {  	s17 =	simm.s32 $0x7E80  }
0x10b: {  	[tilespmem:s17], [sflag:$0x1] =	stream.indirect_vreg.gather [hbm4b:s7+s2], $0x80, v4, vm0, $0xb8;
	[tilespmem:$0x1E680] =	vst v63  }
0x10c: {  	v4 =	vld.msk [tilespmem:s16+$0xFFFFFFB0], $0xff;
	_ =	sdelay $0x4  }
0x10d: {  	v5 =	vshll.u32 v4, $0x3  }
0x10e: {  	v4 =	vand.u32 $0x7, v4;
	v5 =	vand.u32 $0xFFFFFFC0, v5  }
0x10f: {  	v4 =	vor.u32 v4, v5  }
0x110: {  	v4 =	vperm.xlane v4, v1;
	_ =	sdelay $0x1  }
0x111: {  	v4 =	vadd.s32 v2, v4;
	_ =	sdelay $0x3  }
0x112: {  	s17 =	simm.s32 $0x8680  }
0x113: {  	[tilespmem:s17], [sflag:$0x1] =	stream.indirect_vreg.gather [hbm4b:s3+s2], $0x80, v4, vm0, $0xb8;
	[tilespmem:$0x1E680] =	vst v63  }
0x114: {  	s17 =	simm.s32 $0x8E80  }
0x115: {  	[tilespmem:s17], [sflag:$0x1] =	stream.indirect_vreg.gather [hbm4b:s5+s2], $0x80, v4, vm0, $0xb8;
	[tilespmem:$0x1E680] =	vst v63  }
0x116: {  	s17 =	simm.s32 $0x9680  }
0x117: {  	[tilespmem:s17], [sflag:$0x1] =	stream.indirect_vreg.gather [hbm4b:s6+s2], $0x80, v4, vm0, $0xb8;
	[tilespmem:$0x1E680] =	vst v63  }
0x118: {  	s17 =	simm.s32 $0x9E80  }
0x119: {  	[tilespmem:s17], [sflag:$0x1] =	stream.indirect_vreg.gather [hbm4b:s7+s2], $0x80, v4, vm0, $0xb8;
	[tilespmem:$0x1E680] =	vst v63  }
0x11a: {  	_ =	swait.ge [sflag:s25], $0xA000  }
0x11b: {  	[sflag:s25] =	ssyncset.done $0x0  }
0x11c: {  	[sflag:s25] =	ssyncadd.s32 $0xFFFF6000  }
0x11d: {  	v4 =	vld [tilespmem:s16+$0xFFFFFFB8];
	_ =	sdelay $0x4  }
0x11e: {  	v5 =	vshll.u32 v4, $0x3  }
0x11f: {  	v4 =	vand.u32 $0x7, v4;
	v5 =	vand.u32 $0xFFFFFFC0, v5  }
0x120: {  	v4 =	vor.u32 v4, v5  }
0x121: {  	v5 =	vperm.xlane v4, v1;
	_ =	sdelay $0x1  }
0x122: {  	v5 =	vadd.s32 v2, v5;
	_ =	sdelay $0x4  }
0x123: {  	[tilespmem:s19], [sflag:$0x2] =	stream.indirect_vreg.gather [hbm4b:s3+s2], $0x80, v5, vm0, $0xb8;
	[tilespmem:$0x1E680] =	vst v63  }
0x124: {  	s17 =	simm.s32 $0xAE80;
	v4 =	vperm.xlane v4, v3  }
0x125: {  	[tilespmem:s17], [sflag:$0x2] =	stream.indirect_vreg.gather [hbm4b:s5+s2], $0x80, v5, vm0, $0xb8;
	[tilespmem:$0x1E680] =	vst v63  }
0x126: {  	v4 =	vadd.s32 v2, v4;
	s17 =	simm.s32 $0xB680  }
0x127: {  	[tilespmem:s17], [sflag:$0x2] =	stream.indirect_vreg.gather [hbm4b:s6+s2], $0x80, v5, vm0, $0xb8;
	[tilespmem:$0x1E680] =	vst v63  }
0x128: {  	s17 =	simm.s32 $0xBE80  }
0x129: {  	[tilespmem:s17], [sflag:$0x2] =	stream.indirect_vreg.gather [hbm4b:s7+s2], $0x80, v5, vm0, $0xb8;
	[tilespmem:$0x1E680] =	vst v63  }
0x12a: {  	s17 =	simm.s32 $0xC680  }
0x12b: {  	[tilespmem:s17], [sflag:$0x2] =	stream.indirect_vreg.gather [hbm4b:s3+s2], $0x80, v4, vm0, $0xb8;
	[tilespmem:$0x1E680] =	vst v63  }
0x12c: {  	s17 =	simm.s32 $0xCE80  }
0x12d: {  	[tilespmem:s17], [sflag:$0x2] =	stream.indirect_vreg.gather [hbm4b:s5+s2], $0x80, v4, vm0, $0xb8;
	[tilespmem:$0x1E680] =	vst v63  }
0x12e: {  	s17 =	simm.s32 $0xD680  }
0x12f: {  	[tilespmem:s17], [sflag:$0x2] =	stream.indirect_vreg.gather [hbm4b:s6+s2], $0x80, v4, vm0, $0xb8;
	[tilespmem:$0x1E680] =	vst v63  }
0x130: {  	s17 =	simm.s32 $0xDE80  }
0x131: {  	[tilespmem:s17], [sflag:$0x2] =	stream.indirect_vreg.gather [hbm4b:s7+s2], $0x80, v4, vm0, $0xb8;
	[tilespmem:$0x1E680] =	vst v63  }
0x132: {  	v4 =	vld [tilespmem:s16+$0xFFFFFFC8];
	_ =	sdelay $0x4  }
0x133: {  	v5 =	vshll.u32 v4, $0x3  }
0x134: {  	v4 =	vand.u32 $0x7, v4;
	v5 =	vand.u32 $0xFFFFFFC0, v5  }
0x135: {  	v4 =	vor.u32 v4, v5  }
0x136: {  	v5 =	vperm.xlane v4, v1;
	_ =	sdelay $0x1  }
0x137: {  	v5 =	vadd.s32 v2, v5;
	_ =	sdelay $0x3  }
0x138: {  	s17 =	simm.s32 $0xE680  }
0x139: {  	[tilespmem:s17], [sflag:$0x2] =	stream.indirect_vreg.gather [hbm4b:s3+s2], $0x80, v5, vm0, $0xb8;
	[tilespmem:$0x1E680] =	vst v63  }
0x13a: {  	v4 =	vperm.xlane v4, v3;
	s17 =	simm.s32 $0xEE80  }
0x13b: {  	[tilespmem:s17], [sflag:$0x2] =	stream.indirect_vreg.gather [hbm4b:s5+s2], $0x80, v5, vm0, $0xb8;
	[tilespmem:$0x1E680] =	vst v63  }
0x13c: {  	v4 =	vadd.s32 v2, v4;
	s17 =	simm.s32 $0xF680  }
0x13d: {  	[tilespmem:s17], [sflag:$0x2] =	stream.indirect_vreg.gather [hbm4b:s6+s2], $0x80, v5, vm0, $0xb8;
	[tilespmem:$0x1E680] =	vst v63  }
0x13e: {  	s17 =	simm.s32 $0xFE80  }
0x13f: {  	[tilespmem:s17], [sflag:$0x2] =	stream.indirect_vreg.gather [hbm4b:s7+s2], $0x80, v5, vm0, $0xb8;
	[tilespmem:$0x1E680] =	vst v63  }
0x140: {  	s17 =	simm.s32 $0x10680  }
0x141: {  	[tilespmem:s17], [sflag:$0x2] =	stream.indirect_vreg.gather [hbm4b:s3+s2], $0x80, v4, vm0, $0xb8;
	[tilespmem:$0x1E680] =	vst v63  }
0x142: {  	s17 =	simm.s32 $0x10E80  }
0x143: {  	[tilespmem:s17], [sflag:$0x2] =	stream.indirect_vreg.gather [hbm4b:s5+s2], $0x80, v4, vm0, $0xb8;
	[tilespmem:$0x1E680] =	vst v63  }
0x144: {  	s17 =	simm.s32 $0x11680  }
0x145: {  	[tilespmem:s17], [sflag:$0x2] =	stream.indirect_vreg.gather [hbm4b:s6+s2], $0x80, v4, vm0, $0xb8;
	[tilespmem:$0x1E680] =	vst v63  }
0x146: {  	s17 =	simm.s32 $0x11E80  }
0x147: {  	[tilespmem:s17], [sflag:$0x2] =	stream.indirect_vreg.gather [hbm4b:s7+s2], $0x80, v4, vm0, $0xb8;
	[tilespmem:$0x1E680] =	vst v63  }
0x148: {  	v4 =	vld.msk [tilespmem:s16+$0xFFFFFFD8], $0xff;
	_ =	sdelay $0x4  }
0x149: {  	v5 =	vshll.u32 v4, $0x3  }
0x14a: {  	v4 =	vand.u32 $0x7, v4;
	v5 =	vand.u32 $0xFFFFFFC0, v5  }
0x14b: {  	v4 =	vor.u32 v4, v5  }
0x14c: {  	v4 =	vperm.xlane v4, v1;
	_ =	sdelay $0x1  }
0x14d: {  	v4 =	vadd.s32 v2, v4;
	_ =	sdelay $0x3  }
0x14e: {  	s17 =	simm.s32 $0x12680  }
0x14f: {  	[tilespmem:s17], [sflag:$0x2] =	stream.indirect_vreg.gather [hbm4b:s3+s2], $0x80, v4, vm0, $0xb8;
	[tilespmem:$0x1E680] =	vst v63  }
0x150: {  	s17 =	simm.s32 $0x12E80  }
0x151: {  	[tilespmem:s17], [sflag:$0x2] =	stream.indirect_vreg.gather [hbm4b:s5+s2], $0x80, v4, vm0, $0xb8;
	[tilespmem:$0x1E680] =	vst v63  }
0x152: {  	s17 =	simm.s32 $0x13680  }
0x153: {  	[tilespmem:s17], [sflag:$0x2] =	stream.indirect_vreg.gather [hbm4b:s6+s2], $0x80, v4, vm0, $0xb8;
	[tilespmem:$0x1E680] =	vst v63  }
0x154: {  	s17 =	simm.s32 $0x13E80  }
0x155: {  	[tilespmem:s17], [sflag:$0x2] =	stream.indirect_vreg.gather [hbm4b:s7+s2], $0x80, v4, vm0, $0xb8;
	[tilespmem:$0x1E680] =	vst v63  }
0x156: {  	_ =	swait.ge [sflag:s15], $0xA000  }
0x157: {  	[sflag:s15] =	ssyncset.done $0x0  }
0x158: {  	[sflag:s15] =	ssyncadd.s32 $0xFFFF6000  }
0x159: {  	v4 =	vld [tilespmem:s16+$0xFFFFFFE0];
	_ =	sdelay $0x4  }
0x15a: {  	v5 =	vshll.u32 v4, $0x3  }
0x15b: {  	v4 =	vand.u32 $0x7, v4;
	v5 =	vand.u32 $0xFFFFFFC0, v5  }
0x15c: {  	v4 =	vor.u32 v4, v5  }
0x15d: {  	v5 =	vperm.xlane v4, v1;
	_ =	sdelay $0x1  }
0x15e: {  	v5 =	vadd.s32 v2, v5;
	_ =	sdelay $0x4  }
0x15f: {  	[tilespmem:s20], [sflag:$0x3] =	stream.indirect_vreg.gather [hbm4b:s3+s2], $0x80, v5, vm0, $0xb8;
	[tilespmem:$0x1E680] =	vst v63  }
0x160: {  	s17 =	simm.s32 $0x14E80;
	v4 =	vperm.xlane v4, v3  }
0x161: {  	[tilespmem:s17], [sflag:$0x3] =	stream.indirect_vreg.gather [hbm4b:s5+s2], $0x80, v5, vm0, $0xb8;
	[tilespmem:$0x1E680] =	vst v63  }
0x162: {  	v4 =	vadd.s32 v2, v4;
	s17 =	simm.s32 $0x15680  }
0x163: {  	[tilespmem:s17], [sflag:$0x3] =	stream.indirect_vreg.gather [hbm4b:s6+s2], $0x80, v5, vm0, $0xb8;
	[tilespmem:$0x1E680] =	vst v63  }
0x164: {  	s17 =	simm.s32 $0x15E80  }
0x165: {  	[tilespmem:s17], [sflag:$0x3] =	stream.indirect_vreg.gather [hbm4b:s7+s2], $0x80, v5, vm0, $0xb8;
	[tilespmem:$0x1E680] =	vst v63  }
0x166: {  	s17 =	simm.s32 $0x16680  }
0x167: {  	[tilespmem:s17], [sflag:$0x3] =	stream.indirect_vreg.gather [hbm4b:s3+s2], $0x80, v4, vm0, $0xb8;
	[tilespmem:$0x1E680] =	vst v63  }
0x168: {  	s17 =	simm.s32 $0x16E80  }
0x169: {  	[tilespmem:s17], [sflag:$0x3] =	stream.indirect_vreg.gather [hbm4b:s5+s2], $0x80, v4, vm0, $0xb8;
	[tilespmem:$0x1E680] =	vst v63  }
0x16a: {  	s17 =	simm.s32 $0x17680  }
0x16b: {  	[tilespmem:s17], [sflag:$0x3] =	stream.indirect_vreg.gather [hbm4b:s6+s2], $0x80, v4, vm0, $0xb8;
	[tilespmem:$0x1E680] =	vst v63  }
0x16c: {  	_ = 	snop  }
0x16d: {  	[tilespmem:s31], [sflag:$0x3] =	stream.indirect_vreg.gather [hbm4b:s7+s2], $0x80, v4, vm0, $0xb8;
	[tilespmem:$0x1E680] =	vst v63  }
0x16e: {  	v4 =	vld [tilespmem:s16+$0xFFFFFFF0];
	_ =	sdelay $0x4  }
0x16f: {  	v5 =	vshll.u32 v4, $0x3  }
0x170: {  	v4 =	vand.u32 $0x7, v4;
	v5 =	vand.u32 $0xFFFFFFC0, v5  }
0x171: {  	v4 =	vor.u32 v4, v5  }
0x172: {  	v5 =	vperm.xlane v4, v1;
	_ =	sdelay $0x1  }
0x173: {  	v5 =	vadd.s32 v2, v5;
	_ =	sdelay $0x4  }
0x174: {  	[tilespmem:s0], [sflag:$0x3] =	stream.indirect_vreg.gather [hbm4b:s3+s2], $0x80, v5, vm0, $0xb8;
	[tilespmem:$0x1E680] =	vst v63  }
0x175: {  	v4 =	vperm.xlane v4, v3  }
0x176: {  	[tilespmem:s1], [sflag:$0x3] =	stream.indirect_vreg.gather [hbm4b:s5+s2], $0x80, v5, vm0, $0xb8;
	[tilespmem:$0x1E680] =	vst v63  }
0x177: {  	v4 =	vadd.s32 v2, v4  }
0x178: {  	[tilespmem:s4], [sflag:$0x3] =	stream.indirect_vreg.gather [hbm4b:s6+s2], $0x80, v5, vm0, $0xb8;
	[tilespmem:$0x1E680] =	vst v63  }
0x179: {  	_ = 	snop  }
0x17a: {  	[tilespmem:s14], [sflag:$0x3] =	stream.indirect_vreg.gather [hbm4b:s7+s2], $0x80, v5, vm0, $0xb8;
	[tilespmem:$0x1E680] =	vst v63  }
0x17b: {  	_ = 	snop  }
0x17c: {  	[tilespmem:s11], [sflag:$0x3] =	stream.indirect_vreg.gather [hbm4b:s3+s2], $0x80, v4, vm0, $0xb8;
	[tilespmem:$0x1E680] =	vst v63  }
0x17d: {  	_ = 	snop  }
0x17e: {  	[tilespmem:s18], [sflag:$0x3] =	stream.indirect_vreg.gather [hbm4b:s5+s2], $0x80, v4, vm0, $0xb8;
	[tilespmem:$0x1E680] =	vst v63  }
0x17f: {  	_ = 	snop  }
0x180: {  	[tilespmem:s9], [sflag:$0x3] =	stream.indirect_vreg.gather [hbm4b:s6+s2], $0x80, v4, vm0, $0xb8;
	[tilespmem:$0x1E680] =	vst v63  }
0x181: {  	_ = 	snop  }
0x182: {  	[tilespmem:s13], [sflag:$0x3] =	stream.indirect_vreg.gather [hbm4b:s7+s2], $0x80, v4, vm0, $0xb8;
	[tilespmem:$0x1E680] =	vst v63  }
0x183: {  	v4 =	vld.msk [tilespmem:s16+$0x0], $0xff;
	_ =	sdelay $0x4  }
0x184: {  	v5 =	vshll.u32 v4, $0x3  }
0x185: {  	v4 =	vand.u32 $0x7, v4;
	v5 =	vand.u32 $0xFFFFFFC0, v5  }
0x186: {  	v4 =	vor.u32 v4, v5  }
0x187: {  	v4 =	vperm.xlane v4, v1;
	_ =	sdelay $0x1  }
0x188: {  	v4 =	vadd.s32 v2, v4;
	_ =	sdelay $0x4  }
0x189: {  	[tilespmem:s21], [sflag:$0x3] =	stream.indirect_vreg.gather [hbm4b:s3+s2], $0x80, v4, vm0, $0xb8;
	[tilespmem:$0x1E680] =	vst v63  }
0x18a: {  	_ = 	snop  }
0x18b: {  	[tilespmem:s22], [sflag:$0x3] =	stream.indirect_vreg.gather [hbm4b:s5+s2], $0x80, v4, vm0, $0xb8;
	[tilespmem:$0x1E680] =	vst v63  }
0x18c: {  	_ = 	snop  }
0x18d: {  	[tilespmem:s29], [sflag:$0x3] =	stream.indirect_vreg.gather [hbm4b:s6+s2], $0x80, v4, vm0, $0xb8;
	[tilespmem:$0x1E680] =	vst v63  }
0x18e: {  	_ = 	snop  }
0x18f: {  	[tilespmem:s30], [sflag:$0x3] =	stream.indirect_vreg.gather [hbm4b:s7+s2], $0x80, v4, vm0, $0xb8;
	[tilespmem:$0x1E680] =	vst v63  }
0x190: {  	_ =	swait.ge [sflag:s12], $0xA000  }
0x191: {  	s28 =	rddreg [dreg:$0x3]  }
0x192: {  	[sflag:s12] =	ssyncset.done $0x0;
	s28 =	sadd.s32 s26, s28  }
0x193: {  	[sflag:s12] =	ssyncadd.s32 $0xFFFF6000;
	s17 =	sadd.s32 $0x3C00, s28  }
0x194: {  	[hbm4b:s17+s2] =	stream.linear.scatter [tilespmem:s10], [sflag:$0x4], $0xA000, $0x38;
	[tilespmem:$0x1E680] =	vst v63  }
0x195: {  	_ =	swait.ge [sflag:s23], $0xA000  }
0x196: {  	[sflag:s23] =	ssyncset.done $0x0  }
0x197: {  	p0 =	sne.s32 s26, $0x29400;
	s17 =	sadd.s32 $0x5000, s28;
	[sflag:s23] =	ssyncadd.s32 $0xFFFF6000  }
0x198: {  	[hbm4b:s17+s2] =	stream.linear.scatter [tilespmem:s19], [sflag:$0x5], $0xA000, $0x38;
	[tilespmem:$0x1E680] =	vst v63  }
.Ltmp1:
0x199: {  	_ =	swait.ge [sflag:s8], $0xA000;
	(pc) =	sbr.rel @p0 .LBB2_4-.Ltmp1, $4  }
0x19a: {  	[sflag:s8] =	ssyncset.done $0x0  }
0x19b: {  	s16 =	sadd.s32 $0x78, s16;
	s17 =	sadd.s32 $0x6400, s28;
	[sflag:s8] =	ssyncadd.s32 $0xFFFF6000  }
0x19c: {  	[hbm4b:s17+s2] =	stream.linear.scatter [tilespmem:s20], [sflag:$0x6], $0xA000, $0x38;
	[tilespmem:$0x1E680] =	vst v63  }
0x19d: {  	s26 =	sadd.s32 $0x3C00, s26;
	s28 =	simm.s32 $0x1680;
	s17 =	simm.s32 $0xE80  }
0x19e: {  	_ =	swait.ge [sflag:s24], $0xA000  }
0x19f: {  	[sflag:s24] =	ssyncset.done $0x0  }
0x1a0: {  	[sflag:s24] =	ssyncadd.s32 $0xFFFF6000  }
0x1a1: {  	v4 =	vld [tilespmem:$0x618];
	_ =	sdelay $0x4  }
0x1a2: {  	v5 =	vshll.u32 v4, $0x3  }
0x1a3: {  	v4 =	vand.u32 $0x7, v4;
	v5 =	vand.u32 $0xFFFFFFC0, v5  }
0x1a4: {  	v4 =	vor.u32 v4, v5  }
0x1a5: {  	v5 =	vperm.xlane v4, v1;
	_ =	sdelay $0x1  }
0x1a6: {  	v5 =	vadd.s32 v2, v5;
	_ =	sdelay $0x4  }
0x1a7: {  	[tilespmem:s10], [sflag:$0x1] =	stream.indirect_vreg.gather [hbm4b:s3+s2], $0x80, v5, vm0, $0xb8;
	[tilespmem:$0x1E680] =	vst v63  }
0x1a8: {  	v4 =	vperm.xlane v4, v3  }
0x1a9: {  	[tilespmem:s17], [sflag:$0x1] =	stream.indirect_vreg.gather [hbm4b:s5+s2], $0x80, v5, vm0, $0xb8;
	[tilespmem:$0x1E680] =	vst v63  }
0x1aa: {  	v4 =	vadd.s32 v2, v4  }
0x1ab: {  	[tilespmem:s28], [sflag:$0x1] =	stream.indirect_vreg.gather [hbm4b:s6+s2], $0x80, v5, vm0, $0xb8;
	[tilespmem:$0x1E680] =	vst v63  }
0x1ac: {  	s0 =	simm.s32 $0x1E80  }
0x1ad: {  	[tilespmem:s0], [sflag:$0x1] =	stream.indirect_vreg.gather [hbm4b:s7+s2], $0x80, v5, vm0, $0xb8;
	[tilespmem:$0x1E680] =	vst v63  }
0x1ae: {  	s16 =	simm.s32 $0x2680  }
0x1af: {  	[tilespmem:s16], [sflag:$0x1] =	stream.indirect_vreg.gather [hbm4b:s3+s2], $0x80, v4, vm0, $0xb8;
	[tilespmem:$0x1E680] =	vst v63  }
0x1b0: {  	s26 =	simm.s32 $0x2E80  }
0x1b1: {  	[tilespmem:s26], [sflag:$0x1] =	stream.indirect_vreg.gather [hbm4b:s5+s2], $0x80, v4, vm0, $0xb8;
	[tilespmem:$0x1E680] =	vst v63  }
0x1b2: {  	s1 =	simm.s32 $0x3680  }
0x1b3: {  	[tilespmem:s1], [sflag:$0x1] =	stream.indirect_vreg.gather [hbm4b:s6+s2], $0x80, v4, vm0, $0xb8;
	[tilespmem:$0x1E680] =	vst v63  }
0x1b4: {  	s4 =	simm.s32 $0x3E80  }
0x1b5: {  	[tilespmem:s4], [sflag:$0x1] =	stream.indirect_vreg.gather [hbm4b:s7+s2], $0x80, v4, vm0, $0xb8;
	[tilespmem:$0x1E680] =	vst v63  }
0x1b6: {  	v4 =	vld [tilespmem:$0x628];
	_ =	sdelay $0x4  }
0x1b7: {  	v5 =	vshll.u32 v4, $0x3  }
0x1b8: {  	v4 =	vand.u32 $0x7, v4;
	v5 =	vand.u32 $0xFFFFFFC0, v5  }
0x1b9: {  	v4 =	vor.u32 v4, v5  }
0x1ba: {  	v5 =	vperm.xlane v4, v1;
	_ =	sdelay $0x1  }
0x1bb: {  	v5 =	vadd.s32 v2, v5;
	_ =	sdelay $0x3  }
0x1bc: {  	s9 =	simm.s32 $0x4680  }
0x1bd: {  	[tilespmem:s9], [sflag:$0x1] =	stream.indirect_vreg.gather [hbm4b:s3+s2], $0x80, v5, vm0, $0xb8;
	[tilespmem:$0x1E680] =	vst v63  }
0x1be: {  	s16 =	simm.s32 $0x4E80;
	v4 =	vperm.xlane v4, v3  }
0x1bf: {  	[tilespmem:s16], [sflag:$0x1] =	stream.indirect_vreg.gather [hbm4b:s5+s2], $0x80, v5, vm0, $0xb8;
	[tilespmem:$0x1E680] =	vst v63  }
0x1c0: {  	s26 =	simm.s32 $0x5680;
	v4 =	vadd.s32 v2, v4  }
0x1c1: {  	[tilespmem:s26], [sflag:$0x1] =	stream.indirect_vreg.gather [hbm4b:s6+s2], $0x80, v5, vm0, $0xb8;
	[tilespmem:$0x1E680] =	vst v63  }
0x1c2: {  	s1 =	simm.s32 $0x5E80  }
0x1c3: {  	[tilespmem:s1], [sflag:$0x1] =	stream.indirect_vreg.gather [hbm4b:s7+s2], $0x80, v5, vm0, $0xb8;
	[tilespmem:$0x1E680] =	vst v63  }
0x1c4: {  	s4 =	simm.s32 $0x6680  }
0x1c5: {  	[tilespmem:s4], [sflag:$0x1] =	stream.indirect_vreg.gather [hbm4b:s3+s2], $0x80, v4, vm0, $0xb8;
	[tilespmem:$0x1E680] =	vst v63  }
0x1c6: {  	s9 =	simm.s32 $0x6E80  }
0x1c7: {  	[tilespmem:s9], [sflag:$0x1] =	stream.indirect_vreg.gather [hbm4b:s5+s2], $0x80, v4, vm0, $0xb8;
	[tilespmem:$0x1E680] =	vst v63  }
0x1c8: {  	s16 =	simm.s32 $0x7680  }
0x1c9: {  	[tilespmem:s16], [sflag:$0x1] =	stream.indirect_vreg.gather [hbm4b:s6+s2], $0x80, v4, vm0, $0xb8;
	[tilespmem:$0x1E680] =	vst v63  }
0x1ca: {  	s26 =	simm.s32 $0x7E80  }
0x1cb: {  	[tilespmem:s26], [sflag:$0x1] =	stream.indirect_vreg.gather [hbm4b:s7+s2], $0x80, v4, vm0, $0xb8;
	[tilespmem:$0x1E680] =	vst v63  }
0x1cc: {  	v4 =	vld.msk [tilespmem:$0x638], $0xff;
	_ =	sdelay $0x4  }
0x1cd: {  	v5 =	vshll.u32 v4, $0x3  }
0x1ce: {  	v4 =	vand.u32 $0x7, v4;
	v5 =	vand.u32 $0xFFFFFFC0, v5  }
0x1cf: {  	v4 =	vor.u32 v4, v5  }
0x1d0: {  	v4 =	vperm.xlane v4, v1;
	_ =	sdelay $0x1  }
0x1d1: {  	v4 =	vadd.s32 v2, v4;
	_ =	sdelay $0x3  }
0x1d2: {  	s1 =	simm.s32 $0x8680  }
0x1d3: {  	[tilespmem:s1], [sflag:$0x1] =	stream.indirect_vreg.gather [hbm4b:s3+s2], $0x80, v4, vm0, $0xb8;
	[tilespmem:$0x1E680] =	vst v63  }
0x1d4: {  	s4 =	simm.s32 $0x8E80  }
0x1d5: {  	[tilespmem:s4], [sflag:$0x1] =	stream.indirect_vreg.gather [hbm4b:s5+s2], $0x80, v4, vm0, $0xb8;
	[tilespmem:$0x1E680] =	vst v63  }
0x1d6: {  	s9 =	simm.s32 $0x9680  }
0x1d7: {  	[tilespmem:s9], [sflag:$0x1] =	stream.indirect_vreg.gather [hbm4b:s6+s2], $0x80, v4, vm0, $0xb8;
	[tilespmem:$0x1E680] =	vst v63  }
0x1d8: {  	s16 =	simm.s32 $0x9E80  }
0x1d9: {  	[tilespmem:s16], [sflag:$0x1] =	stream.indirect_vreg.gather [hbm4b:s7+s2], $0x80, v4, vm0, $0xb8;
	[tilespmem:$0x1E680] =	vst v63  }
0x1da: {  	_ =	swait.ge [sflag:s12], $0xA000  }
0x1db: {  	[sflag:s12] =	ssyncset.done $0x0  }
0x1dc: {  	s16 =	rddreg [dreg:$0x8];
	[sflag:s12] =	ssyncadd.s32 $0xFFFF6000  }
0x1dd: {  	[hbm4b:s16+s2] =	stream.linear.scatter [tilespmem:s10], [sflag:$0x4], $0xA000, $0x38;
	[tilespmem:$0x1E680] =	vst v63  }
0x1de: {  	_ =	swait.ge [sflag:s25], $0xA000  }
0x1df: {  	[sflag:s25] =	ssyncset.done $0x0  }
0x1e0: {  	[sflag:s25] =	ssyncadd.s32 $0xFFFF6000  }
0x1e1: {  	_ =	swait.ge [sflag:s15], $0xA000  }
0x1e2: {  	[sflag:s15] =	ssyncset.done $0x0  }
0x1e3: {  	[sflag:s15] =	ssyncadd.s32 $0xFFFF6000  }
0x1e4: {  	_ =	swait.ge [sflag:s24], $0xA000  }
0x1e5: {  	s9 =	rddreg [dreg:$0xa]  }
0x1e6: {  	s26 =	rddreg [dreg:$0x9];
	s9 =	sadd.s32 $0x1, s9  }
0x1e7: {  	p0 =	sne.s32 s9, s26  }
.Ltmp2:
0x1e8: {  	_ = 	snop;
	(pc) =	sbr.rel @p0 .LBB2_1-.Ltmp2, $3  }
0x1e9: {  	_ =	sdelay $0x1  }
0x1ea: {  	s0 =	simm.s32 $0x680;
	[sflag:s24] =	ssyncset.done $0x0  }
0x1eb: {  	s1 =	simm.s32 $0xA680;
	s4 =	simm.s32 $0x14680;
	[sflag:s24] =	ssyncadd.s32 $0xFFFF6000  }
0x1ec: {  	_ =	sfence.sel $0x180000  }
0x1ed: {  	[bflag:$0x0] =	sbarrier.arrive $0xFFFF  }
0x1ee: {  	_ =	strace $0x90000047  }
0x1ef: {  	s0 =	stileid.u32;
	[bflag:$0x2] =	sbarrier.arrive $0xFFFF  }
0x1f0: {  	p0 =	sne.s32 s0, $0x0;
	s0 =	rddreg [dreg:$0x2]  }
0x1f1: {  	s0 =	sadd.s32 @!p0 $0x100000, s0  }
0x1f2: {  	[sflag:s0] =	ssyncadd.tile.s32 @!p0 $0x1;
	_ =	shalt  }
.Lfunc_end2:
_tile_overlayer_lowered:
.L_overlay_start_2:
0x1f3: {  	(tag) =	ssettag $0x2  }
0x1f4: {  	s0 =	rddreg [dreg:$0x0];
	s2 =	stileid.u32  }
0x1f5: {  	s1 =	rddreg [dreg:$0x1];
	p0 =	sne.s32 s2, $0x0  }
0x1f6: {  	s3 =	rddreg [dreg:$0x2];
	[bflag:$0x3] =	sbarrier.arrive $0xFFFF;
	s2 =	simm.s32 @!p0 $0x1C07  }
0x1f7: {  	[timem:s3], [sflag:s2] =	dma.local @!p0 [hbm:s0], s1  }
0x1f8: {  	s0 =	simm.s32 @!p0 $0x7  }
0x1f9: {  	_ =	swait.ge @!p0 [sflag:s0], s1  }
0x1fa: {  	s1 =	ssub.s32 @!p0 $0x0, s1;
	[sflag:s0] =	ssyncset.done @!p0 $0x0  }
0x1fb: {  	[sflag:s0] =	ssyncadd.s32 @!p0 s1  }
0x1fc: {  	[bflag:$0x3] =	sbarrier.arrive $0xFFFF  }
0x1fd: {  	_ =	shalt  }

</sc_bundles>
